<compile_context>
chip_gen: v7x
topology: tpu7x:2x2x1
jax: 0.10.2.dev20260603
libtpu: 0.0.44.dev20260713+nightly
codegen_flags: <defaults>
</compile_context>

<pallas_src>
import jax
import jax.numpy as jnp
from jax import lax
from jax.experimental import pallas as pl
from jax.experimental.pallas import tpu as pltpu
from jax.experimental.pallas import tpu_sc as plsc

_D = 64
_L = 16
_NC = 2
_NS = 16
_NW = _NC * _NS
_NBUF = 4
_SCALE = 8.0


def _make_sc_gather(n_rows: int, seq: int):
  mesh = plsc.VectorSubcoreMesh(core_axis_name="c", subcore_axis_name="s")
  r_per_w = n_rows // _NW

  def body(idx_hbm, table_hbm, out_hbm, idx_v, buf, *sems):
    gsems = sems[:_NBUF]
    osems = sems[_NBUF:]
    wid = lax.axis_index("s") * _NC + lax.axis_index("c")
    base = wid * r_per_w

    pltpu.sync_copy(idx_hbm.at[pl.ds(base, r_per_w)], idx_v)

    def g_copy(j, b):
      return pltpu.make_async_copy(
          table_hbm.at[idx_v.at[j]], buf.at[b], gsems[b])

    def o_copy(j, b):
      return pltpu.make_async_copy(
          buf.at[b], out_hbm.at[base + j], osems[b])

    for b in range(_NBUF):
      g_copy(b, b).start()

    def outer(io, carry):
      jo = io * _NBUF
      for b in range(_NBUF):
        j = jo + b
        g_copy(j, b).wait()

        def srow(i4, c):
          for u in range(4):
            i = i4 * 4 + u
            for l in range(_D // _L):
              s = pl.ds(l * _L, _L)
              buf[b, i, s] = buf[b, i, s] * _SCALE
          return c
        lax.fori_loop(0, seq // 4, srow, 0)

        o_copy(j, b).start()

        @pl.when(j + _NBUF < r_per_w)
        def _():
          o_copy(j, b).wait()
          g_copy(j + _NBUF, b).start()
      return carry

    lax.fori_loop(0, r_per_w // _NBUF, outer, 0)

    for b in range(_NBUF):
      o_copy(r_per_w - _NBUF + b, b).wait()

  return pl.kernel(
      body,
      mesh=mesh,
      out_type=jax.ShapeDtypeStruct((n_rows, seq, _D), jnp.float32),
      scratch_types=[
          pltpu.VMEM((r_per_w, seq), jnp.int32),
          pltpu.VMEM((_NBUF, seq, _D), jnp.float32),
      ] + [pltpu.SemaphoreType.DMA] * (2 * _NBUF),
      compiler_params=pltpu.CompilerParams(use_tc_tiling_on_sc=False),
  )


def kernel(x, table):
  n_rows, seq = x.shape
  assert n_rows % (_NW * _NBUF) == 0 and seq % 4 == 0
  return _make_sc_gather(n_rows, seq)(x.astype(jnp.int32), table)

# --- scband reference (transcript-rebuilt; emitter-appended) ---
"""Pipeline reference for scband-embeddings-60687887893046 (READ-ONLY COPY).

The authoritative reference and input builder live on the scoring server;
editing this copy changes nothing except your own understanding.
"""

import jax, jax.numpy as jnp
import numpy as np

D_MODEL = 64
VOCAB = 1000000

def setup_inputs(seed: int = 0) -> dict:
    key = jax.random.key(seed)
    k1, k2 = jax.random.split(key)
    x = jax.random.randint(k1, (4096, 200), 0, VOCAB, dtype=jnp.int64)
    table = jax.random.normal(k2, (VOCAB, D_MODEL), dtype=jnp.float32) * 0.02
    return {"x": x, "table": table}

def reference(x, table):
    scale = jnp.sqrt(jnp.array([D_MODEL], dtype=jnp.float32))
    emb = jnp.take(table, x, axis=0)
    return emb * scale

if __name__ == "__main__":
    import jax
    _d = setup_inputs()
    print(jax.jit(kernel)(*tuple(_d.values())))

</pallas_src>

<mosaic_0001>
#map = affine_map<(d0, d1) -> (0, 0)>
#map1 = affine_map<(d0, d1) -> (0, 0, 0)>
module attributes {stable_mosaic.version = 14 : i64} {
  func.func @body(%arg0: i32, %arg1: i32, %arg2: memref<4096x200xi32, #tpu.memory_space<hbm>>, %arg3: memref<1000000x64xf32, #tpu.memory_space<hbm>>, %arg4: memref<4096x200x64xf32, #tpu.memory_space<hbm>>, %arg5: memref<128x200xi32, #tpu.memory_space<vmem>>, %arg6: memref<4x200x64xf32, #tpu.memory_space<vmem>>, %arg7: memref<!tpu.dma_semaphore, #tpu.memory_space<semaphore_mem>>, %arg8: memref<!tpu.dma_semaphore, #tpu.memory_space<semaphore_mem>>, %arg9: memref<!tpu.dma_semaphore, #tpu.memory_space<semaphore_mem>>, %arg10: memref<!tpu.dma_semaphore, #tpu.memory_space<semaphore_mem>>, %arg11: memref<!tpu.dma_semaphore, #tpu.memory_space<semaphore_mem>>, %arg12: memref<!tpu.dma_semaphore, #tpu.memory_space<semaphore_mem>>, %arg13: memref<!tpu.dma_semaphore, #tpu.memory_space<semaphore_mem>>, %arg14: memref<!tpu.dma_semaphore, #tpu.memory_space<semaphore_mem>>) attributes {dimension_semantics = [#tpu.dimension_semantics<core_parallel>, #tpu.dimension_semantics<subcore_parallel>], iteration_bounds = array<i64: 2, 16>, scalar_prefetch = 0 : i64, scratch_operands = 10 : i64, tpu.core_type = #tpu.core_type<sc_vector_subcore>, window_params = [{transform_indices = #map}, {transform_indices = #map}, {transform_indices = #map1}]} {
    %mul3A = arith.constant 2 : i32
    %mul3A_0 = arith.muli %arg1, %mul3A : i32
    %add3A = arith.addi %mul3A_0, %arg0 : i32
    %mul3A_1 = arith.constant 128 : i32
    %mul3A_2 = arith.muli %add3A, %mul3A_1 : i32
    "tpu.region"() ({
      %run_scoped3A = tpu.sem_alloc : memref<!tpu.dma_semaphore, #tpu.memory_space<semaphore_mem>>
      %dma_start3A_130 = arith.constant 0 : i32
      %dma_start3A_131 = tpu.memref_slice %arg2[%mul3A_2, %dma_start3A_130] : memref<4096x200xi32, #tpu.memory_space<hbm>> -> memref<128x200xi32, #tpu.memory_space<hbm>>
      %dma_start3A_132 = arith.constant 0 : i32
      %dma_start3A_133 = tpu.memref_slice %arg2[%mul3A_2, %dma_start3A_132] : memref<4096x200xi32, #tpu.memory_space<hbm>> -> memref<128x200xi32, #tpu.memory_space<hbm>>
      tpu.enqueue_dma source(%dma_start3A_133 : memref<128x200xi32, #tpu.memory_space<hbm>>) target(%arg5 : memref<128x200xi32, #tpu.memory_space<vmem>>) target_semaphore(%run_scoped3A : memref<!tpu.dma_semaphore, #tpu.memory_space<semaphore_mem>>)
      %dma_wait3A_134 = arith.constant 0 : i32
      %dma_wait3A_135 = tpu.memref_slice %arg2[%mul3A_2, %dma_wait3A_134] : memref<4096x200xi32, #tpu.memory_space<hbm>> -> memref<128x200xi32, #tpu.memory_space<hbm>>
      %dma_wait3A_136 = arith.constant 0 : i32
      %dma_wait3A_137 = tpu.memref_slice %arg2[%mul3A_2, %dma_wait3A_136] : memref<4096x200xi32, #tpu.memory_space<hbm>> -> memref<128x200xi32, #tpu.memory_space<hbm>>
      tpu.wait_dma2 semaphore(%run_scoped3A : memref<!tpu.dma_semaphore, #tpu.memory_space<semaphore_mem>>) src(%dma_wait3A_137 : memref<128x200xi32, #tpu.memory_space<hbm>>) dst(%arg5 : memref<128x200xi32, #tpu.memory_space<vmem>>)
      tpu.yield
    }) : () -> ()
    %dma_start3A = arith.constant 0 : i32
    %dma_start3A_3 = arith.constant 0 : i32
    %dma_start3A_4 = arith.constant 0 : i32
    %dma_start3A_5 = arith.constant 0 : i32
    %dma_start3A_6 = tpu.memref_slice %arg6[%dma_start3A_3, %dma_start3A_4, %dma_start3A_5] : memref<4x200x64xf32, #tpu.memory_space<vmem>> -> memref<1x200x64xf32, #tpu.memory_space<vmem>>
    %dma_start3A_7 = tpu.memref_squeeze %dma_start3A_6 : memref<1x200x64xf32, #tpu.memory_space<vmem>> -> memref<200x64xf32, #tpu.memory_space<vmem>>
    %dma_start3A_8 = arith.constant 0 : i32
    %dma_start3A_9 = tpu.memref_slice %arg5[%dma_start3A, %dma_start3A_8] : memref<128x200xi32, #tpu.memory_space<vmem>> -> memref<1x200xi32, #tpu.memory_space<vmem>>
    %dma_start3A_10 = tpu.memref_squeeze %dma_start3A_9 : memref<1x200xi32, #tpu.memory_space<vmem>> -> memref<200xi32, #tpu.memory_space<vmem>>
    %dma_start3A_11 = arith.constant 0 : i32
    %dma_start3A_12 = arith.constant 0 : i32
    %dma_start3A_13 = tpu.memref_slice %arg3[%dma_start3A_11, %dma_start3A_12] : memref<1000000x64xf32, #tpu.memory_space<hbm>> -> memref<1000000x64xf32, #tpu.memory_space<hbm>>
    tpu.enqueue_indirect_dma source(%dma_start3A_13 : memref<1000000x64xf32, #tpu.memory_space<hbm>>) target(%dma_start3A_7 : memref<200x64xf32, #tpu.memory_space<vmem>>) offsets(%dma_start3A_10 : memref<200xi32, #tpu.memory_space<vmem>>) semaphore(%arg7 : memref<!tpu.dma_semaphore, #tpu.memory_space<semaphore_mem>>)
    %dma_start3A_14 = arith.constant 1 : i32
    %dma_start3A_15 = arith.constant 1 : i32
    %dma_start3A_16 = arith.constant 0 : i32
    %dma_start3A_17 = arith.constant 0 : i32
    %dma_start3A_18 = tpu.memref_slice %arg6[%dma_start3A_15, %dma_start3A_16, %dma_start3A_17] : memref<4x200x64xf32, #tpu.memory_space<vmem>> -> memref<1x200x64xf32, #tpu.memory_space<vmem>>
    %dma_start3A_19 = tpu.memref_squeeze %dma_start3A_18 : memref<1x200x64xf32, #tpu.memory_space<vmem>> -> memref<200x64xf32, #tpu.memory_space<vmem>>
    %dma_start3A_20 = arith.constant 0 : i32
    %dma_start3A_21 = tpu.memref_slice %arg5[%dma_start3A_14, %dma_start3A_20] : memref<128x200xi32, #tpu.memory_space<vmem>> -> memref<1x200xi32, #tpu.memory_space<vmem>>
    %dma_start3A_22 = tpu.memref_squeeze %dma_start3A_21 : memref<1x200xi32, #tpu.memory_space<vmem>> -> memref<200xi32, #tpu.memory_space<vmem>>
    %dma_start3A_23 = arith.constant 0 : i32
    %dma_start3A_24 = arith.constant 0 : i32
    %dma_start3A_25 = tpu.memref_slice %arg3[%dma_start3A_23, %dma_start3A_24] : memref<1000000x64xf32, #tpu.memory_space<hbm>> -> memref<1000000x64xf32, #tpu.memory_space<hbm>>
    tpu.enqueue_indirect_dma source(%dma_start3A_25 : memref<1000000x64xf32, #tpu.memory_space<hbm>>) target(%dma_start3A_19 : memref<200x64xf32, #tpu.memory_space<vmem>>) offsets(%dma_start3A_22 : memref<200xi32, #tpu.memory_space<vmem>>) semaphore(%arg8 : memref<!tpu.dma_semaphore, #tpu.memory_space<semaphore_mem>>)
    %dma_start3A_26 = arith.constant 2 : i32
    %dma_start3A_27 = arith.constant 2 : i32
    %dma_start3A_28 = arith.constant 0 : i32
    %dma_start3A_29 = arith.constant 0 : i32
    %dma_start3A_30 = tpu.memref_slice %arg6[%dma_start3A_27, %dma_start3A_28, %dma_start3A_29] : memref<4x200x64xf32, #tpu.memory_space<vmem>> -> memref<1x200x64xf32, #tpu.memory_space<vmem>>
    %dma_start3A_31 = tpu.memref_squeeze %dma_start3A_30 : memref<1x200x64xf32, #tpu.memory_space<vmem>> -> memref<200x64xf32, #tpu.memory_space<vmem>>
    %dma_start3A_32 = arith.constant 0 : i32
    %dma_start3A_33 = tpu.memref_slice %arg5[%dma_start3A_26, %dma_start3A_32] : memref<128x200xi32, #tpu.memory_space<vmem>> -> memref<1x200xi32, #tpu.memory_space<vmem>>
    %dma_start3A_34 = tpu.memref_squeeze %dma_start3A_33 : memref<1x200xi32, #tpu.memory_space<vmem>> -> memref<200xi32, #tpu.memory_space<vmem>>
    %dma_start3A_35 = arith.constant 0 : i32
    %dma_start3A_36 = arith.constant 0 : i32
    %dma_start3A_37 = tpu.memref_slice %arg3[%dma_start3A_35, %dma_start3A_36] : memref<1000000x64xf32, #tpu.memory_space<hbm>> -> memref<1000000x64xf32, #tpu.memory_space<hbm>>
    tpu.enqueue_indirect_dma source(%dma_start3A_37 : memref<1000000x64xf32, #tpu.memory_space<hbm>>) target(%dma_start3A_31 : memref<200x64xf32, #tpu.memory_space<vmem>>) offsets(%dma_start3A_34 : memref<200xi32, #tpu.memory_space<vmem>>) semaphore(%arg9 : memref<!tpu.dma_semaphore, #tpu.memory_space<semaphore_mem>>)
    %dma_start3A_38 = arith.constant 3 : i32
    %dma_start3A_39 = arith.constant 3 : i32
    %dma_start3A_40 = arith.constant 0 : i32
    %dma_start3A_41 = arith.constant 0 : i32
    %dma_start3A_42 = tpu.memref_slice %arg6[%dma_start3A_39, %dma_start3A_40, %dma_start3A_41] : memref<4x200x64xf32, #tpu.memory_space<vmem>> -> memref<1x200x64xf32, #tpu.memory_space<vmem>>
    %dma_start3A_43 = tpu.memref_squeeze %dma_start3A_42 : memref<1x200x64xf32, #tpu.memory_space<vmem>> -> memref<200x64xf32, #tpu.memory_space<vmem>>
    %dma_start3A_44 = arith.constant 0 : i32
    %dma_start3A_45 = tpu.memref_slice %arg5[%dma_start3A_38, %dma_start3A_44] : memref<128x200xi32, #tpu.memory_space<vmem>> -> memref<1x200xi32, #tpu.memory_space<vmem>>
    %dma_start3A_46 = tpu.memref_squeeze %dma_start3A_45 : memref<1x200xi32, #tpu.memory_space<vmem>> -> memref<200xi32, #tpu.memory_space<vmem>>
    %dma_start3A_47 = arith.constant 0 : i32
    %dma_start3A_48 = arith.constant 0 : i32
    %dma_start3A_49 = tpu.memref_slice %arg3[%dma_start3A_47, %dma_start3A_48] : memref<1000000x64xf32, #tpu.memory_space<hbm>> -> memref<1000000x64xf32, #tpu.memory_space<hbm>>
    tpu.enqueue_indirect_dma source(%dma_start3A_49 : memref<1000000x64xf32, #tpu.memory_space<hbm>>) target(%dma_start3A_43 : memref<200x64xf32, #tpu.memory_space<vmem>>) offsets(%dma_start3A_46 : memref<200xi32, #tpu.memory_space<vmem>>) semaphore(%arg10 : memref<!tpu.dma_semaphore, #tpu.memory_space<semaphore_mem>>)
    %scan3A = arith.constant 0 : i32
    %scan3A_50 = arith.constant 0 : i32
    %scan3A_51 = arith.constant 32 : i32
    %scan3A_52 = arith.addi %scan3A_50, %scan3A_51 : i32
    %scan3A_53 = arith.constant 1 : i32
    scf.for %scan3A_130 = %scan3A_50 to %scan3A_52 step %scan3A_53  : i32 {
      %mul3A_131 = arith.constant 4 : i32
      %mul3A_132 = arith.muli %scan3A_130, %mul3A_131 : i32
      %add3A_133 = arith.constant 0 : i32
      %add3A_134 = arith.addi %mul3A_132, %add3A_133 : i32
      %dma_wait3A_135 = arith.constant 0 : i32
      %dma_wait3A_136 = arith.constant 0 : i32
      %dma_wait3A_137 = arith.constant 0 : i32
      %dma_wait3A_138 = tpu.memref_slice %arg6[%dma_wait3A_135, %dma_wait3A_136, %dma_wait3A_137] : memref<4x200x64xf32, #tpu.memory_space<vmem>> -> memref<1x200x64xf32, #tpu.memory_space<vmem>>
      %dma_wait3A_139 = tpu.memref_squeeze %dma_wait3A_138 : memref<1x200x64xf32, #tpu.memory_space<vmem>> -> memref<200x64xf32, #tpu.memory_space<vmem>>
      %dma_wait3A_140 = arith.constant 0 : i32
      %dma_wait3A_141 = tpu.memref_slice %arg5[%add3A_134, %dma_wait3A_140] : memref<128x200xi32, #tpu.memory_space<vmem>> -> memref<1x200xi32, #tpu.memory_space<vmem>>
      %dma_wait3A_142 = tpu.memref_squeeze %dma_wait3A_141 : memref<1x200xi32, #tpu.memory_space<vmem>> -> memref<200xi32, #tpu.memory_space<vmem>>
      %dma_wait3A_143 = arith.constant 0 : i32
      %dma_wait3A_144 = arith.constant 0 : i32
      %dma_wait3A_145 = tpu.memref_slice %arg3[%dma_wait3A_143, %dma_wait3A_144] : memref<1000000x64xf32, #tpu.memory_space<hbm>> -> memref<1000000x64xf32, #tpu.memory_space<hbm>>
      tpu.wait_indirect_dma semaphore(%arg7 : memref<!tpu.dma_semaphore, #tpu.memory_space<semaphore_mem>>) src(%dma_wait3A_145 : memref<1000000x64xf32, #tpu.memory_space<hbm>>) dst(%dma_wait3A_139 : memref<200x64xf32, #tpu.memory_space<vmem>>)
      %scan3A_146 = arith.constant 0 : i32
      %scan3A_147 = arith.constant 0 : i32
      %scan3A_148 = arith.constant 50 : i32
      %scan3A_149 = arith.addi %scan3A_147, %scan3A_148 : i32
      %scan3A_150 = arith.constant 1 : i32
      scf.for %scan3A_306 = %scan3A_147 to %scan3A_149 step %scan3A_150  : i32 {
        %mul3A_307 = arith.constant 4 : i32
        %mul3A_308 = arith.muli %scan3A_306, %mul3A_307 : i32
        %add3A_309 = arith.constant 0 : i32
        %add3A_310 = arith.addi %mul3A_308, %add3A_309 : i32
        %get3A = arith.constant 0 : i32
        %get3A_311 = arith.index_cast %get3A : i32 to index
        %get3A_312 = arith.index_cast %add3A_310 : i32 to index
        %get3A_313 = arith.constant 0 : index
        %get3A_314 = tpu.vector_load %arg6[%get3A_311, %get3A_312, %get3A_313] {strides = array<i32>} : memref<4x200x64xf32, #tpu.memory_space<vmem>>, vector<1x1x16xf32>,
        %get3A_315 = vector.shape_cast %get3A_314 : vector<1x1x16xf32> to vector<16xf32>
        %mul3A_316 = arith.constant 8.000000e+00 : f32
        %mul3A_317 = vector.broadcast %mul3A_316 : f32 to vector<16xf32>
        %mul3A_318 = arith.mulf %get3A_315, %mul3A_317 : vector<16xf32>
        %swap3A = arith.constant 0 : i32
        %swap3A_319 = arith.index_cast %swap3A : i32 to index
        %swap3A_320 = arith.index_cast %add3A_310 : i32 to index
        %swap3A_321 = arith.constant 0 : index
        %swap3A_322 = tpu.vector_load %arg6[%swap3A_319, %swap3A_320, %swap3A_321] {strides = array<i32>} : memref<4x200x64xf32, #tpu.memory_space<vmem>>, vector<1x1x16xf32>,
        %swap3A_323 = vector.shape_cast %swap3A_322 : vector<1x1x16xf32> to vector<16xf32>
        %swap3A_324 = vector.shape_cast %mul3A_318 : vector<16xf32> to vector<1x1x16xf32>
        tpu.vector_store %arg6[%swap3A_319, %swap3A_320, %swap3A_321], %swap3A_324 {strides = array<i32>} : memref<4x200x64xf32, #tpu.memory_space<vmem>>, vector<1x1x16xf32>,
        %get3A_325 = arith.constant 0 : i32
        %get3A_326 = arith.index_cast %get3A_325 : i32 to index
        %get3A_327 = arith.index_cast %add3A_310 : i32 to index
        %get3A_328 = arith.constant 16 : index
        %get3A_329 = tpu.vector_load %arg6[%get3A_326, %get3A_327, %get3A_328] {strides = array<i32>} : memref<4x200x64xf32, #tpu.memory_space<vmem>>, vector<1x1x16xf32>,
        %get3A_330 = vector.shape_cast %get3A_329 : vector<1x1x16xf32> to vector<16xf32>
        %mul3A_331 = arith.constant 8.000000e+00 : f32
        %mul3A_332 = vector.broadcast %mul3A_331 : f32 to vector<16xf32>
        %mul3A_333 = arith.mulf %get3A_330, %mul3A_332 : vector<16xf32>
        %swap3A_334 = arith.constant 0 : i32
        %swap3A_335 = arith.index_cast %swap3A_334 : i32 to index
        %swap3A_336 = arith.index_cast %add3A_310 : i32 to index
        %swap3A_337 = arith.constant 16 : index
        %swap3A_338 = tpu.vector_load %arg6[%swap3A_335, %swap3A_336, %swap3A_337] {strides = array<i32>} : memref<4x200x64xf32, #tpu.memory_space<vmem>>, vector<1x1x16xf32>,
        %swap3A_339 = vector.shape_cast %swap3A_338 : vector<1x1x16xf32> to vector<16xf32>
        %swap3A_340 = vector.shape_cast %mul3A_333 : vector<16xf32> to vector<1x1x16xf32>
        tpu.vector_store %arg6[%swap3A_335, %swap3A_336, %swap3A_337], %swap3A_340 {strides = array<i32>} : memref<4x200x64xf32, #tpu.memory_space<vmem>>, vector<1x1x16xf32>,
        %get3A_341 = arith.constant 0 : i32
        %get3A_342 = arith.index_cast %get3A_341 : i32 to index
        %get3A_343 = arith.index_cast %add3A_310 : i32 to index
        %get3A_344 = arith.constant 32 : index
        %get3A_345 = tpu.vector_load %arg6[%get3A_342, %get3A_343, %get3A_344] {strides = array<i32>} : memref<4x200x64xf32, #tpu.memory_space<vmem>>, vector<1x1x16xf32>,
        %get3A_346 = vector.shape_cast %get3A_345 : vector<1x1x16xf32> to vector<16xf32>
        %mul3A_347 = arith.constant 8.000000e+00 : f32
        %mul3A_348 = vector.broadcast %mul3A_347 : f32 to vector<16xf32>
        %mul3A_349 = arith.mulf %get3A_346, %mul3A_348 : vector<16xf32>
        %swap3A_350 = arith.constant 0 : i32
        %swap3A_351 = arith.index_cast %swap3A_350 : i32 to index
        %swap3A_352 = arith.index_cast %add3A_310 : i32 to index
        %swap3A_353 = arith.constant 32 : index
        %swap3A_354 = tpu.vector_load %arg6[%swap3A_351, %swap3A_352, %swap3A_353] {strides = array<i32>} : memref<4x200x64xf32, #tpu.memory_space<vmem>>, vector<1x1x16xf32>,
        %swap3A_355 = vector.shape_cast %swap3A_354 : vector<1x1x16xf32> to vector<16xf32>
        %swap3A_356 = vector.shape_cast %mul3A_349 : vector<16xf32> to vector<1x1x16xf32>
        tpu.vector_store %arg6[%swap3A_351, %swap3A_352, %swap3A_353], %swap3A_356 {strides = array<i32>} : memref<4x200x64xf32, #tpu.memory_space<vmem>>, vector<1x1x16xf32>,
        %get3A_357 = arith.constant 0 : i32
        %get3A_358 = arith.index_cast %get3A_357 : i32 to index
        %get3A_359 = arith.index_cast %add3A_310 : i32 to index
        %get3A_360 = arith.constant 48 : index
        %get3A_361 = tpu.vector_load %arg6[%get3A_358, %get3A_359, %get3A_360] {strides = array<i32>} : memref<4x200x64xf32, #tpu.memory_space<vmem>>, vector<1x1x16xf32>,
        %get3A_362 = vector.shape_cast %get3A_361 : vector<1x1x16xf32> to vector<16xf32>
        %mul3A_363 = arith.constant 8.000000e+00 : f32
        %mul3A_364 = vector.broadcast %mul3A_363 : f32 to vector<16xf32>
        %mul3A_365 = arith.mulf %get3A_362, %mul3A_364 : vector<16xf32>
        %swap3A_366 = arith.constant 0 : i32
        %swap3A_367 = arith.index_cast %swap3A_366 : i32 to index
        %swap3A_368 = arith.index_cast %add3A_310 : i32 to index
        %swap3A_369 = arith.constant 48 : index
        %swap3A_370 = tpu.vector_load %arg6[%swap3A_367, %swap3A_368, %swap3A_369] {strides = array<i32>} : memref<4x200x64xf32, #tpu.memory_space<vmem>>, vector<1x1x16xf32>,
        %swap3A_371 = vector.shape_cast %swap3A_370 : vector<1x1x16xf32> to vector<16xf32>
        %swap3A_372 = vector.shape_cast %mul3A_365 : vector<16xf32> to vector<1x1x16xf32>
        tpu.vector_store %arg6[%swap3A_367, %swap3A_368, %swap3A_369], %swap3A_372 {strides = array<i32>} : memref<4x200x64xf32, #tpu.memory_space<vmem>>, vector<1x1x16xf32>,
        %mul3A_373 = arith.constant 4 : i32
        %mul3A_374 = arith.muli %scan3A_306, %mul3A_373 : i32
        %add3A_375 = arith.constant 1 : i32
        %add3A_376 = arith.addi %mul3A_374, %add3A_375 : i32
        %get3A_377 = arith.constant 0 : i32
        %get3A_378 = arith.index_cast %get3A_377 : i32 to index
        %get3A_379 = arith.index_cast %add3A_376 : i32 to index
        %get3A_380 = arith.constant 0 : index
        %get3A_381 = tpu.vector_load %arg6[%get3A_378, %get3A_379, %get3A_380] {strides = array<i32>} : memref<4x200x64xf32, #tpu.memory_space<vmem>>, vector<1x1x16xf32>,
        %get3A_382 = vector.shape_cast %get3A_381 : vector<1x1x16xf32> to vector<16xf32>
        %mul3A_383 = arith.constant 8.000000e+00 : f32
        %mul3A_384 = vector.broadcast %mul3A_383 : f32 to vector<16xf32>
        %mul3A_385 = arith.mulf %get3A_382, %mul3A_384 : vector<16xf32>
        %swap3A_386 = arith.constant 0 : i32
        %swap3A_387 = arith.index_cast %swap3A_386 : i32 to index
        %swap3A_388 = arith.index_cast %add3A_376 : i32 to index
        %swap3A_389 = arith.constant 0 : index
        %swap3A_390 = tpu.vector_load %arg6[%swap3A_387, %swap3A_388, %swap3A_389] {strides = array<i32>} : memref<4x200x64xf32, #tpu.memory_space<vmem>>, vector<1x1x16xf32>,
        %swap3A_391 = vector.shape_cast %swap3A_390 : vector<1x1x16xf32> to vector<16xf32>
        %swap3A_392 = vector.shape_cast %mul3A_385 : vector<16xf32> to vector<1x1x16xf32>
        tpu.vector_store %arg6[%swap3A_387, %swap3A_388, %swap3A_389], %swap3A_392 {strides = array<i32>} : memref<4x200x64xf32, #tpu.memory_space<vmem>>, vector<1x1x16xf32>,
        %get3A_393 = arith.constant 0 : i32
        %get3A_394 = arith.index_cast %get3A_393 : i32 to index
        %get3A_395 = arith.index_cast %add3A_376 : i32 to index
        %get3A_396 = arith.constant 16 : index
        %get3A_397 = tpu.vector_load %arg6[%get3A_394, %get3A_395, %get3A_396] {strides = array<i32>} : memref<4x200x64xf32, #tpu.memory_space<vmem>>, vector<1x1x16xf32>,
        %get3A_398 = vector.shape_cast %get3A_397 : vector<1x1x16xf32> to vector<16xf32>
        %mul3A_399 = arith.constant 8.000000e+00 : f32
        %mul3A_400 = vector.broadcast %mul3A_399 : f32 to vector<16xf32>
        %mul3A_401 = arith.mulf %get3A_398, %mul3A_400 : vector<16xf32>
        %swap3A_402 = arith.constant 0 : i32
        %swap3A_403 = arith.index_cast %swap3A_402 : i32 to index
        %swap3A_404 = arith.index_cast %add3A_376 : i32 to index
        %swap3A_405 = arith.constant 16 : index
        %swap3A_406 = tpu.vector_load %arg6[%swap3A_403, %swap3A_404, %swap3A_405] {strides = array<i32>} : memref<4x200x64xf32, #tpu.memory_space<vmem>>, vector<1x1x16xf32>,
        %swap3A_407 = vector.shape_cast %swap3A_406 : vector<1x1x16xf32> to vector<16xf32>
        %swap3A_408 = vector.shape_cast %mul3A_401 : vector<16xf32> to vector<1x1x16xf32>
        tpu.vector_store %arg6[%swap3A_403, %swap3A_404, %swap3A_405], %swap3A_408 {strides = array<i32>} : memref<4x200x64xf32, #tpu.memory_space<vmem>>, vector<1x1x16xf32>,
        %get3A_409 = arith.constant 0 : i32
        %get3A_410 = arith.index_cast %get3A_409 : i32 to index
        %get3A_411 = arith.index_cast %add3A_376 : i32 to index
        %get3A_412 = arith.constant 32 : index
        %get3A_413 = tpu.vector_load %arg6[%get3A_410, %get3A_411, %get3A_412] {strides = array<i32>} : memref<4x200x64xf32, #tpu.memory_space<vmem>>, vector<1x1x16xf32>,
        %get3A_414 = vector.shape_cast %get3A_413 : vector<1x1x16xf32> to vector<16xf32>
        %mul3A_415 = arith.constant 8.000000e+00 : f32
        %mul3A_416 = vector.broadcast %mul3A_415 : f32 to vector<16xf32>
        %mul3A_417 = arith.mulf %get3A_414, %mul3A_416 : vector<16xf32>
        %swap3A_418 = arith.constant 0 : i32
        %swap3A_419 = arith.index_cast %swap3A_418 : i32 to index
        %swap3A_420 = arith.index_cast %add3A_376 : i32 to index
        %swap3A_421 = arith.constant 32 : index
        %swap3A_422 = tpu.vector_load %arg6[%swap3A_419, %swap3A_420, %swap3A_421] {strides = array<i32>} : memref<4x200x64xf32, #tpu.memory_space<vmem>>, vector<1x1x16xf32>,
        %swap3A_423 = vector.shape_cast %swap3A_422 : vector<1x1x16xf32> to vector<16xf32>
        %swap3A_424 = vector.shape_cast %mul3A_417 : vector<16xf32> to vector<1x1x16xf32>
        tpu.vector_store %arg6[%swap3A_419, %swap3A_420, %swap3A_421], %swap3A_424 {strides = array<i32>} : memref<4x200x64xf32, #tpu.memory_space<vmem>>, vector<1x1x16xf32>,
        %get3A_425 = arith.constant 0 : i32
        %get3A_426 = arith.index_cast %get3A_425 : i32 to index
        %get3A_427 = arith.index_cast %add3A_376 : i32 to index
        %get3A_428 = arith.constant 48 : index
        %get3A_429 = tpu.vector_load %arg6[%get3A_426, %get3A_427, %get3A_428] {strides = array<i32>} : memref<4x200x64xf32, #tpu.memory_space<vmem>>, vector<1x1x16xf32>,
        %get3A_430 = vector.shape_cast %get3A_429 : vector<1x1x16xf32> to vector<16xf32>
        %mul3A_431 = arith.constant 8.000000e+00 : f32
        %mul3A_432 = vector.broadcast %mul3A_431 : f32 to vector<16xf32>
        %mul3A_433 = arith.mulf %get3A_430, %mul3A_432 : vector<16xf32>
        %swap3A_434 = arith.constant 0 : i32
        %swap3A_435 = arith.index_cast %swap3A_434 : i32 to index
        %swap3A_436 = arith.index_cast %add3A_376 : i32 to index
        %swap3A_437 = arith.constant 48 : index
        %swap3A_438 = tpu.vector_load %arg6[%swap3A_435, %swap3A_436, %swap3A_437] {strides = array<i32>} : memref<4x200x64xf32, #tpu.memory_space<vmem>>, vector<1x1x16xf32>,
        %swap3A_439 = vector.shape_cast %swap3A_438 : vector<1x1x16xf32> to vector<16xf32>
        %swap3A_440 = vector.shape_cast %mul3A_433 : vector<16xf32> to vector<1x1x16xf32>
        tpu.vector_store %arg6[%swap3A_435, %swap3A_436, %swap3A_437], %swap3A_440 {strides = array<i32>} : memref<4x200x64xf32, #tpu.memory_space<vmem>>, vector<1x1x16xf32>,
        %mul3A_441 = arith.constant 4 : i32
        %mul3A_442 = arith.muli %scan3A_306, %mul3A_441 : i32
        %add3A_443 = arith.constant 2 : i32
        %add3A_444 = arith.addi %mul3A_442, %add3A_443 : i32
        %get3A_445 = arith.constant 0 : i32
        %get3A_446 = arith.index_cast %get3A_445 : i32 to index
        %get3A_447 = arith.index_cast %add3A_444 : i32 to index
        %get3A_448 = arith.constant 0 : index
        %get3A_449 = tpu.vector_load %arg6[%get3A_446, %get3A_447, %get3A_448] {strides = array<i32>} : memref<4x200x64xf32, #tpu.memory_space<vmem>>, vector<1x1x16xf32>,
        %get3A_450 = vector.shape_cast %get3A_449 : vector<1x1x16xf32> to vector<16xf32>
        %mul3A_451 = arith.constant 8.000000e+00 : f32
        %mul3A_452 = vector.broadcast %mul3A_451 : f32 to vector<16xf32>
        %mul3A_453 = arith.mulf %get3A_450, %mul3A_452 : vector<16xf32>
        %swap3A_454 = arith.constant 0 : i32
        %swap3A_455 = arith.index_cast %swap3A_454 : i32 to index
        %swap3A_456 = arith.index_cast %add3A_444 : i32 to index
        %swap3A_457 = arith.constant 0 : index
        %swap3A_458 = tpu.vector_load %arg6[%swap3A_455, %swap3A_456, %swap3A_457] {strides = array<i32>} : memref<4x200x64xf32, #tpu.memory_space<vmem>>, vector<1x1x16xf32>,
        %swap3A_459 = vector.shape_cast %swap3A_458 : vector<1x1x16xf32> to vector<16xf32>
        %swap3A_460 = vector.shape_cast %mul3A_453 : vector<16xf32> to vector<1x1x16xf32>
        tpu.vector_store %arg6[%swap3A_455, %swap3A_456, %swap3A_457], %swap3A_460 {strides = array<i32>} : memref<4x200x64xf32, #tpu.memory_space<vmem>>, vector<1x1x16xf32>,
        %get3A_461 = arith.constant 0 : i32
        %get3A_462 = arith.index_cast %get3A_461 : i32 to index
        %get3A_463 = arith.index_cast %add3A_444 : i32 to index
        %get3A_464 = arith.constant 16 : index
        %get3A_465 = tpu.vector_load %arg6[%get3A_462, %get3A_463, %get3A_464] {strides = array<i32>} : memref<4x200x64xf32, #tpu.memory_space<vmem>>, vector<1x1x16xf32>,
        %get3A_466 = vector.shape_cast %get3A_465 : vector<1x1x16xf32> to vector<16xf32>
        %mul3A_467 = arith.constant 8.000000e+00 : f32
        %mul3A_468 = vector.broadcast %mul3A_467 : f32 to vector<16xf32>
        %mul3A_469 = arith.mulf %get3A_466, %mul3A_468 : vector<16xf32>
        %swap3A_470 = arith.constant 0 : i32
        %swap3A_471 = arith.index_cast %swap3A_470 : i32 to index
        %swap3A_472 = arith.index_cast %add3A_444 : i32 to index
        %swap3A_473 = arith.constant 16 : index
        %swap3A_474 = tpu.vector_load %arg6[%swap3A_471, %swap3A_472, %swap3A_473] {strides = array<i32>} : memref<4x200x64xf32, #tpu.memory_space<vmem>>, vector<1x1x16xf32>,
        %swap3A_475 = vector.shape_cast %swap3A_474 : vector<1x1x16xf32> to vector<16xf32>
        %swap3A_476 = vector.shape_cast %mul3A_469 : vector<16xf32> to vector<1x1x16xf32>
        tpu.vector_store %arg6[%swap3A_471, %swap3A_472, %swap3A_473], %swap3A_476 {strides = array<i32>} : memref<4x200x64xf32, #tpu.memory_space<vmem>>, vector<1x1x16xf32>,
        %get3A_477 = arith.constant 0 : i32
        %get3A_478 = arith.index_cast %get3A_477 : i32 to index
        %get3A_479 = arith.index_cast %add3A_444 : i32 to index
        %get3A_480 = arith.constant 32 : index
        %get3A_481 = tpu.vector_load %arg6[%get3A_478, %get3A_479, %get3A_480] {strides = array<i32>} : memref<4x200x64xf32, #tpu.memory_space<vmem>>, vector<1x1x16xf32>,
        %get3A_482 = vector.shape_cast %get3A_481 : vector<1x1x16xf32> to vector<16xf32>
        %mul3A_483 = arith.constant 8.000000e+00 : f32
        %mul3A_484 = vector.broadcast %mul3A_483 : f32 to vector<16xf32>
        %mul3A_485 = arith.mulf %get3A_482, %mul3A_484 : vector<16xf32>
        %swap3A_486 = arith.constant 0 : i32
        %swap3A_487 = arith.index_cast %swap3A_486 : i32 to index
        %swap3A_488 = arith.index_cast %add3A_444 : i32 to index
        %swap3A_489 = arith.constant 32 : index
        %swap3A_490 = tpu.vector_load %arg6[%swap3A_487, %swap3A_488, %swap3A_489] {strides = array<i32>} : memref<4x200x64xf32, #tpu.memory_space<vmem>>, vector<1x1x16xf32>,
        %swap3A_491 = vector.shape_cast %swap3A_490 : vector<1x1x16xf32> to vector<16xf32>
        %swap3A_492 = vector.shape_cast %mul3A_485 : vector<16xf32> to vector<1x1x16xf32>
        tpu.vector_store %arg6[%swap3A_487, %swap3A_488, %swap3A_489], %swap3A_492 {strides = array<i32>} : memref<4x200x64xf32, #tpu.memory_space<vmem>>, vector<1x1x16xf32>,
        %get3A_493 = arith.constant 0 : i32
        %get3A_494 = arith.index_cast %get3A_493 : i32 to index
        %get3A_495 = arith.index_cast %add3A_444 : i32 to index
        %get3A_496 = arith.constant 48 : index
        %get3A_497 = tpu.vector_load %arg6[%get3A_494, %get3A_495, %get3A_496] {strides = array<i32>} : memref<4x200x64xf32, #tpu.memory_space<vmem>>, vector<1x1x16xf32>,
        %get3A_498 = vector.shape_cast %get3A_497 : vector<1x1x16xf32> to vector<16xf32>
        %mul3A_499 = arith.constant 8.000000e+00 : f32
        %mul3A_500 = vector.broadcast %mul3A_499 : f32 to vector<16xf32>
        %mul3A_501 = arith.mulf %get3A_498, %mul3A_500 : vector<16xf32>
        %swap3A_502 = arith.constant 0 : i32
        %swap3A_503 = arith.index_cast %swap3A_502 : i32 to index
        %swap3A_504 = arith.index_cast %add3A_444 : i32 to index
        %swap3A_505 = arith.constant 48 : index
        %swap3A_506 = tpu.vector_load %arg6[%swap3A_503, %swap3A_504, %swap3A_505] {strides = array<i32>} : memref<4x200x64xf32, #tpu.memory_space<vmem>>, vector<1x1x16xf32>,
        %swap3A_507 = vector.shape_cast %swap3A_506 : vector<1x1x16xf32> to vector<16xf32>
        %swap3A_508 = vector.shape_cast %mul3A_501 : vector<16xf32> to vector<1x1x16xf32>
        tpu.vector_store %arg6[%swap3A_503, %swap3A_504, %swap3A_505], %swap3A_508 {strides = array<i32>} : memref<4x200x64xf32, #tpu.memory_space<vmem>>, vector<1x1x16xf32>,
        %mul3A_509 = arith.constant 4 : i32
        %mul3A_510 = arith.muli %scan3A_306, %mul3A_509 : i32
        %add3A_511 = arith.constant 3 : i32
        %add3A_512 = arith.addi %mul3A_510, %add3A_511 : i32
        %get3A_513 = arith.constant 0 : i32
        %get3A_514 = arith.index_cast %get3A_513 : i32 to index
        %get3A_515 = arith.index_cast %add3A_512 : i32 to index
        %get3A_516 = arith.constant 0 : index
        %get3A_517 = tpu.vector_load %arg6[%get3A_514, %get3A_515, %get3A_516] {strides = array<i32>} : memref<4x200x64xf32, #tpu.memory_space<vmem>>, vector<1x1x16xf32>,
        %get3A_518 = vector.shape_cast %get3A_517 : vector<1x1x16xf32> to vector<16xf32>
        %mul3A_519 = arith.constant 8.000000e+00 : f32
        %mul3A_520 = vector.broadcast %mul3A_519 : f32 to vector<16xf32>
        %mul3A_521 = arith.mulf %get3A_518, %mul3A_520 : vector<16xf32>
        %swap3A_522 = arith.constant 0 : i32
        %swap3A_523 = arith.index_cast %swap3A_522 : i32 to index
        %swap3A_524 = arith.index_cast %add3A_512 : i32 to index
        %swap3A_525 = arith.constant 0 : index
        %swap3A_526 = tpu.vector_load %arg6[%swap3A_523, %swap3A_524, %swap3A_525] {strides = array<i32>} : memref<4x200x64xf32, #tpu.memory_space<vmem>>, vector<1x1x16xf32>,
        %swap3A_527 = vector.shape_cast %swap3A_526 : vector<1x1x16xf32> to vector<16xf32>
        %swap3A_528 = vector.shape_cast %mul3A_521 : vector<16xf32> to vector<1x1x16xf32>
        tpu.vector_store %arg6[%swap3A_523, %swap3A_524, %swap3A_525], %swap3A_528 {strides = array<i32>} : memref<4x200x64xf32, #tpu.memory_space<vmem>>, vector<1x1x16xf32>,
        %get3A_529 = arith.constant 0 : i32
        %get3A_530 = arith.index_cast %get3A_529 : i32 to index
        %get3A_531 = arith.index_cast %add3A_512 : i32 to index
        %get3A_532 = arith.constant 16 : index
        %get3A_533 = tpu.vector_load %arg6[%get3A_530, %get3A_531, %get3A_532] {strides = array<i32>} : memref<4x200x64xf32, #tpu.memory_space<vmem>>, vector<1x1x16xf32>,
        %get3A_534 = vector.shape_cast %get3A_533 : vector<1x1x16xf32> to vector<16xf32>
        %mul3A_535 = arith.constant 8.000000e+00 : f32
        %mul3A_536 = vector.broadcast %mul3A_535 : f32 to vector<16xf32>
        %mul3A_537 = arith.mulf %get3A_534, %mul3A_536 : vector<16xf32>
        %swap3A_538 = arith.constant 0 : i32
        %swap3A_539 = arith.index_cast %swap3A_538 : i32 to index
        %swap3A_540 = arith.index_cast %add3A_512 : i32 to index
        %swap3A_541 = arith.constant 16 : index
        %swap3A_542 = tpu.vector_load %arg6[%swap3A_539, %swap3A_540, %swap3A_541] {strides = array<i32>} : memref<4x200x64xf32, #tpu.memory_space<vmem>>, vector<1x1x16xf32>,
        %swap3A_543 = vector.shape_cast %swap3A_542 : vector<1x1x16xf32> to vector<16xf32>
        %swap3A_544 = vector.shape_cast %mul3A_537 : vector<16xf32> to vector<1x1x16xf32>
        tpu.vector_store %arg6[%swap3A_539, %swap3A_540, %swap3A_541], %swap3A_544 {strides = array<i32>} : memref<4x200x64xf32, #tpu.memory_space<vmem>>, vector<1x1x16xf32>,
        %get3A_545 = arith.constant 0 : i32
        %get3A_546 = arith.index_cast %get3A_545 : i32 to index
        %get3A_547 = arith.index_cast %add3A_512 : i32 to index
        %get3A_548 = arith.constant 32 : index
        %get3A_549 = tpu.vector_load %arg6[%get3A_546, %get3A_547, %get3A_548] {strides = array<i32>} : memref<4x200x64xf32, #tpu.memory_space<vmem>>, vector<1x1x16xf32>,
        %get3A_550 = vector.shape_cast %get3A_549 : vector<1x1x16xf32> to vector<16xf32>
        %mul3A_551 = arith.constant 8.000000e+00 : f32
        %mul3A_552 = vector.broadcast %mul3A_551 : f32 to vector<16xf32>
        %mul3A_553 = arith.mulf %get3A_550, %mul3A_552 : vector<16xf32>
        %swap3A_554 = arith.constant 0 : i32
        %swap3A_555 = arith.index_cast %swap3A_554 : i32 to index
        %swap3A_556 = arith.index_cast %add3A_512 : i32 to index
        %swap3A_557 = arith.constant 32 : index
        %swap3A_558 = tpu.vector_load %arg6[%swap3A_555, %swap3A_556, %swap3A_557] {strides = array<i32>} : memref<4x200x64xf32, #tpu.memory_space<vmem>>, vector<1x1x16xf32>,
        %swap3A_559 = vector.shape_cast %swap3A_558 : vector<1x1x16xf32> to vector<16xf32>
        %swap3A_560 = vector.shape_cast %mul3A_553 : vector<16xf32> to vector<1x1x16xf32>
        tpu.vector_store %arg6[%swap3A_555, %swap3A_556, %swap3A_557], %swap3A_560 {strides = array<i32>} : memref<4x200x64xf32, #tpu.memory_space<vmem>>, vector<1x1x16xf32>,
        %get3A_561 = arith.constant 0 : i32
        %get3A_562 = arith.index_cast %get3A_561 : i32 to index
        %get3A_563 = arith.index_cast %add3A_512 : i32 to index
        %get3A_564 = arith.constant 48 : index
        %get3A_565 = tpu.vector_load %arg6[%get3A_562, %get3A_563, %get3A_564] {strides = array<i32>} : memref<4x200x64xf32, #tpu.memory_space<vmem>>, vector<1x1x16xf32>,
        %get3A_566 = vector.shape_cast %get3A_565 : vector<1x1x16xf32> to vector<16xf32>
        %mul3A_567 = arith.constant 8.000000e+00 : f32
        %mul3A_568 = vector.broadcast %mul3A_567 : f32 to vector<16xf32>
        %mul3A_569 = arith.mulf %get3A_566, %mul3A_568 : vector<16xf32>
        %swap3A_570 = arith.constant 0 : i32
        %swap3A_571 = arith.index_cast %swap3A_570 : i32 to index
        %swap3A_572 = arith.index_cast %add3A_512 : i32 to index
        %swap3A_573 = arith.constant 48 : index
        %swap3A_574 = tpu.vector_load %arg6[%swap3A_571, %swap3A_572, %swap3A_573] {strides = array<i32>} : memref<4x200x64xf32, #tpu.memory_space<vmem>>, vector<1x1x16xf32>,
        %swap3A_575 = vector.shape_cast %swap3A_574 : vector<1x1x16xf32> to vector<16xf32>
        %swap3A_576 = vector.shape_cast %mul3A_569 : vector<16xf32> to vector<1x1x16xf32>
        tpu.vector_store %arg6[%swap3A_571, %swap3A_572, %swap3A_573], %swap3A_576 {strides = array<i32>} : memref<4x200x64xf32, #tpu.memory_space<vmem>>, vector<1x1x16xf32>,
      }
      %scan3A_151 = arith.constant 50 : i32
      %add3A_152 = arith.addi %mul3A_2, %add3A_134 : i32
      %dma_start3A_153 = arith.constant 0 : i32
      %dma_start3A_154 = arith.constant 0 : i32
      %dma_start3A_155 = arith.constant 0 : i32
      %dma_start3A_156 = tpu.memref_slice %arg6[%dma_start3A_153, %dma_start3A_154, %dma_start3A_155] : memref<4x200x64xf32, #tpu.memory_space<vmem>> -> memref<1x200x64xf32, #tpu.memory_space<vmem>>
      %dma_start3A_157 = tpu.memref_squeeze %dma_start3A_156 : memref<1x200x64xf32, #tpu.memory_space<vmem>> -> memref<200x64xf32, #tpu.memory_space<vmem>>
      %dma_start3A_158 = arith.constant 0 : i32
      %dma_start3A_159 = arith.constant 0 : i32
      %dma_start3A_160 = tpu.memref_slice %arg4[%add3A_152, %dma_start3A_158, %dma_start3A_159] : memref<4096x200x64xf32, #tpu.memory_space<hbm>> -> memref<1x200x64xf32, #tpu.memory_space<hbm>>
      %dma_start3A_161 = tpu.memref_squeeze %dma_start3A_160 : memref<1x200x64xf32, #tpu.memory_space<hbm>> -> memref<200x64xf32, #tpu.memory_space<hbm>>
      %dma_start3A_162 = arith.constant 0 : i32
      %dma_start3A_163 = arith.constant 0 : i32
      %dma_start3A_164 = tpu.memref_slice %arg4[%add3A_152, %dma_start3A_162, %dma_start3A_163] : memref<4096x200x64xf32, #tpu.memory_space<hbm>> -> memref<1x200x64xf32, #tpu.memory_space<hbm>>
      %dma_start3A_165 = tpu.memref_squeeze %dma_start3A_164 : memref<1x200x64xf32, #tpu.memory_space<hbm>> -> memref<200x64xf32, #tpu.memory_space<hbm>>
      %dma_start3A_166 = arith.constant 0 : i32
      %dma_start3A_167 = arith.constant 0 : i32
      %dma_start3A_168 = tpu.memref_slice %arg6[%dma_start3A_153, %dma_start3A_166, %dma_start3A_167] : memref<4x200x64xf32, #tpu.memory_space<vmem>> -> memref<1x200x64xf32, #tpu.memory_space<vmem>>
      %dma_start3A_169 = tpu.memref_squeeze %dma_start3A_168 : memref<1x200x64xf32, #tpu.memory_space<vmem>> -> memref<200x64xf32, #tpu.memory_space<vmem>>
      tpu.enqueue_dma source(%dma_start3A_169 : memref<200x64xf32, #tpu.memory_space<vmem>>) target(%dma_start3A_165 : memref<200x64xf32, #tpu.memory_space<hbm>>) target_semaphore(%arg11 : memref<!tpu.dma_semaphore, #tpu.memory_space<semaphore_mem>>)
      %add3A_170 = arith.constant 4 : i32
      %add3A_171 = arith.addi %add3A_134, %add3A_170 : i32
      %lt3A = arith.constant 128 : i32
      %lt3A_172 = arith.cmpi slt, %add3A_171, %lt3A : i32
      %convert_element_type3A = arith.extui %lt3A_172 : i1 to i32
      %cond3A = arith.constant 0 : i32
      %cond3A_173 = arith.cmpi ne, %convert_element_type3A, %cond3A : i32
      scf.if %cond3A_173 {
        %add3A_306 = arith.addi %mul3A_2, %add3A_134 : i32
        %dma_wait3A_307 = arith.constant 0 : i32
        %dma_wait3A_308 = arith.constant 0 : i32
        %dma_wait3A_309 = arith.constant 0 : i32
        %dma_wait3A_310 = tpu.memref_slice %arg6[%dma_wait3A_307, %dma_wait3A_308, %dma_wait3A_309] : memref<4x200x64xf32, #tpu.memory_space<vmem>> -> memref<1x200x64xf32, #tpu.memory_space<vmem>>
        %dma_wait3A_311 = tpu.memref_squeeze %dma_wait3A_310 : memref<1x200x64xf32, #tpu.memory_space<vmem>> -> memref<200x64xf32, #tpu.memory_space<vmem>>
        %dma_wait3A_312 = arith.constant 0 : i32
        %dma_wait3A_313 = arith.constant 0 : i32
        %dma_wait3A_314 = tpu.memref_slice %arg4[%add3A_306, %dma_wait3A_312, %dma_wait3A_313] : memref<4096x200x64xf32, #tpu.memory_space<hbm>> -> memref<1x200x64xf32, #tpu.memory_space<hbm>>
        %dma_wait3A_315 = tpu.memref_squeeze %dma_wait3A_314 : memref<1x200x64xf32, #tpu.memory_space<hbm>> -> memref<200x64xf32, #tpu.memory_space<hbm>>
        %dma_wait3A_316 = arith.constant 0 : i32
        %dma_wait3A_317 = arith.constant 0 : i32
        %dma_wait3A_318 = tpu.memref_slice %arg4[%add3A_306, %dma_wait3A_316, %dma_wait3A_317] : memref<4096x200x64xf32, #tpu.memory_space<hbm>> -> memref<1x200x64xf32, #tpu.memory_space<hbm>>
        %dma_wait3A_319 = tpu.memref_squeeze %dma_wait3A_318 : memref<1x200x64xf32, #tpu.memory_space<hbm>> -> memref<200x64xf32, #tpu.memory_space<hbm>>
        %dma_wait3A_320 = arith.constant 0 : i32
        %dma_wait3A_321 = arith.constant 0 : i32
        %dma_wait3A_322 = tpu.memref_slice %arg6[%dma_wait3A_307, %dma_wait3A_320, %dma_wait3A_321] : memref<4x200x64xf32, #tpu.memory_space<vmem>> -> memref<1x200x64xf32, #tpu.memory_space<vmem>>
        %dma_wait3A_323 = tpu.memref_squeeze %dma_wait3A_322 : memref<1x200x64xf32, #tpu.memory_space<vmem>> -> memref<200x64xf32, #tpu.memory_space<vmem>>
        tpu.wait_dma2 semaphore(%arg11 : memref<!tpu.dma_semaphore, #tpu.memory_space<semaphore_mem>>) src(%dma_wait3A_323 : memref<200x64xf32, #tpu.memory_space<vmem>>) dst(%dma_wait3A_319 : memref<200x64xf32, #tpu.memory_space<hbm>>)
        %add3A_324 = arith.constant 4 : i32
        %add3A_325 = arith.addi %add3A_134, %add3A_324 : i32
        %dma_start3A_326 = arith.constant 0 : i32
        %dma_start3A_327 = arith.constant 0 : i32
        %dma_start3A_328 = arith.constant 0 : i32
        %dma_start3A_329 = tpu.memref_slice %arg6[%dma_start3A_326, %dma_start3A_327, %dma_start3A_328] : memref<4x200x64xf32, #tpu.memory_space<vmem>> -> memref<1x200x64xf32, #tpu.memory_space<vmem>>
        %dma_start3A_330 = tpu.memref_squeeze %dma_start3A_329 : memref<1x200x64xf32, #tpu.memory_space<vmem>> -> memref<200x64xf32, #tpu.memory_space<vmem>>
        %dma_start3A_331 = arith.constant 0 : i32
        %dma_start3A_332 = tpu.memref_slice %arg5[%add3A_325, %dma_start3A_331] : memref<128x200xi32, #tpu.memory_space<vmem>> -> memref<1x200xi32, #tpu.memory_space<vmem>>
        %dma_start3A_333 = tpu.memref_squeeze %dma_start3A_332 : memref<1x200xi32, #tpu.memory_space<vmem>> -> memref<200xi32, #tpu.memory_space<vmem>>
        %dma_start3A_334 = arith.constant 0 : i32
        %dma_start3A_335 = arith.constant 0 : i32
        %dma_start3A_336 = tpu.memref_slice %arg3[%dma_start3A_334, %dma_start3A_335] : memref<1000000x64xf32, #tpu.memory_space<hbm>> -> memref<1000000x64xf32, #tpu.memory_space<hbm>>
        tpu.enqueue_indirect_dma source(%dma_start3A_336 : memref<1000000x64xf32, #tpu.memory_space<hbm>>) target(%dma_start3A_330 : memref<200x64xf32, #tpu.memory_space<vmem>>) offsets(%dma_start3A_333 : memref<200xi32, #tpu.memory_space<vmem>>) semaphore(%arg7 : memref<!tpu.dma_semaphore, #tpu.memory_space<semaphore_mem>>)
      } else {
      }
      %add3A_174 = arith.constant 1 : i32
      %add3A_175 = arith.addi %mul3A_132, %add3A_174 : i32
      %dma_wait3A_176 = arith.constant 1 : i32
      %dma_wait3A_177 = arith.constant 0 : i32
      %dma_wait3A_178 = arith.constant 0 : i32
      %dma_wait3A_179 = tpu.memref_slice %arg6[%dma_wait3A_176, %dma_wait3A_177, %dma_wait3A_178] : memref<4x200x64xf32, #tpu.memory_space<vmem>> -> memref<1x200x64xf32, #tpu.memory_space<vmem>>
      %dma_wait3A_180 = tpu.memref_squeeze %dma_wait3A_179 : memref<1x200x64xf32, #tpu.memory_space<vmem>> -> memref<200x64xf32, #tpu.memory_space<vmem>>
      %dma_wait3A_181 = arith.constant 0 : i32
      %dma_wait3A_182 = tpu.memref_slice %arg5[%add3A_175, %dma_wait3A_181] : memref<128x200xi32, #tpu.memory_space<vmem>> -> memref<1x200xi32, #tpu.memory_space<vmem>>
      %dma_wait3A_183 = tpu.memref_squeeze %dma_wait3A_182 : memref<1x200xi32, #tpu.memory_space<vmem>> -> memref<200xi32, #tpu.memory_space<vmem>>
      %dma_wait3A_184 = arith.constant 0 : i32
      %dma_wait3A_185 = arith.constant 0 : i32
      %dma_wait3A_186 = tpu.memref_slice %arg3[%dma_wait3A_184, %dma_wait3A_185] : memref<1000000x64xf32, #tpu.memory_space<hbm>> -> memref<1000000x64xf32, #tpu.memory_space<hbm>>
      tpu.wait_indirect_dma semaphore(%arg8 : memref<!tpu.dma_semaphore, #tpu.memory_space<semaphore_mem>>) src(%dma_wait3A_186 : memref<1000000x64xf32, #tpu.memory_space<hbm>>) dst(%dma_wait3A_180 : memref<200x64xf32, #tpu.memory_space<vmem>>)
      %scan3A_187 = arith.constant 0 : i32
      %scan3A_188 = arith.constant 0 : i32
      %scan3A_189 = arith.constant 50 : i32
      %scan3A_190 = arith.addi %scan3A_188, %scan3A_189 : i32
      %scan3A_191 = arith.constant 1 : i32
      scf.for %scan3A_306 = %scan3A_188 to %scan3A_190 step %scan3A_191  : i32 {
        %mul3A_307 = arith.constant 4 : i32
        %mul3A_308 = arith.muli %scan3A_306, %mul3A_307 : i32
        %add3A_309 = arith.constant 0 : i32
        %add3A_310 = arith.addi %mul3A_308, %add3A_309 : i32
        %get3A = arith.constant 1 : i32
        %get3A_311 = arith.index_cast %get3A : i32 to index
        %get3A_312 = arith.index_cast %add3A_310 : i32 to index
        %get3A_313 = arith.constant 0 : index
        %get3A_314 = tpu.vector_load %arg6[%get3A_311, %get3A_312, %get3A_313] {strides = array<i32>} : memref<4x200x64xf32, #tpu.memory_space<vmem>>, vector<1x1x16xf32>,
        %get3A_315 = vector.shape_cast %get3A_314 : vector<1x1x16xf32> to vector<16xf32>
        %mul3A_316 = arith.constant 8.000000e+00 : f32
        %mul3A_317 = vector.broadcast %mul3A_316 : f32 to vector<16xf32>
        %mul3A_318 = arith.mulf %get3A_315, %mul3A_317 : vector<16xf32>
        %swap3A = arith.constant 1 : i32
        %swap3A_319 = arith.index_cast %swap3A : i32 to index
        %swap3A_320 = arith.index_cast %add3A_310 : i32 to index
        %swap3A_321 = arith.constant 0 : index
        %swap3A_322 = tpu.vector_load %arg6[%swap3A_319, %swap3A_320, %swap3A_321] {strides = array<i32>} : memref<4x200x64xf32, #tpu.memory_space<vmem>>, vector<1x1x16xf32>,
        %swap3A_323 = vector.shape_cast %swap3A_322 : vector<1x1x16xf32> to vector<16xf32>
        %swap3A_324 = vector.shape_cast %mul3A_318 : vector<16xf32> to vector<1x1x16xf32>
        tpu.vector_store %arg6[%swap3A_319, %swap3A_320, %swap3A_321], %swap3A_324 {strides = array<i32>} : memref<4x200x64xf32, #tpu.memory_space<vmem>>, vector<1x1x16xf32>,
        %get3A_325 = arith.constant 1 : i32
        %get3A_326 = arith.index_cast %get3A_325 : i32 to index
        %get3A_327 = arith.index_cast %add3A_310 : i32 to index
        %get3A_328 = arith.constant 16 : index
        %get3A_329 = tpu.vector_load %arg6[%get3A_326, %get3A_327, %get3A_328] {strides = array<i32>} : memref<4x200x64xf32, #tpu.memory_space<vmem>>, vector<1x1x16xf32>,
        %get3A_330 = vector.shape_cast %get3A_329 : vector<1x1x16xf32> to vector<16xf32>
        %mul3A_331 = arith.constant 8.000000e+00 : f32
        %mul3A_332 = vector.broadcast %mul3A_331 : f32 to vector<16xf32>
        %mul3A_333 = arith.mulf %get3A_330, %mul3A_332 : vector<16xf32>
        %swap3A_334 = arith.constant 1 : i32
        %swap3A_335 = arith.index_cast %swap3A_334 : i32 to index
        %swap3A_336 = arith.index_cast %add3A_310 : i32 to index
        %swap3A_337 = arith.constant 16 : index
        %swap3A_338 = tpu.vector_load %arg6[%swap3A_335, %swap3A_336, %swap3A_337] {strides = array<i32>} : memref<4x200x64xf32, #tpu.memory_space<vmem>>, vector<1x1x16xf32>,
        %swap3A_339 = vector.shape_cast %swap3A_338 : vector<1x1x16xf32> to vector<16xf32>
        %swap3A_340 = vector.shape_cast %mul3A_333 : vector<16xf32> to vector<1x1x16xf32>
        tpu.vector_store %arg6[%swap3A_335, %swap3A_336, %swap3A_337], %swap3A_340 {strides = array<i32>} : memref<4x200x64xf32, #tpu.memory_space<vmem>>, vector<1x1x16xf32>,
        %get3A_341 = arith.constant 1 : i32
        %get3A_342 = arith.index_cast %get3A_341 : i32 to index
        %get3A_343 = arith.index_cast %add3A_310 : i32 to index
        %get3A_344 = arith.constant 32 : index
        %get3A_345 = tpu.vector_load %arg6[%get3A_342, %get3A_343, %get3A_344] {strides = array<i32>} : memref<4x200x64xf32, #tpu.memory_space<vmem>>, vector<1x1x16xf32>,
        %get3A_346 = vector.shape_cast %get3A_345 : vector<1x1x16xf32> to vector<16xf32>
        %mul3A_347 = arith.constant 8.000000e+00 : f32
        %mul3A_348 = vector.broadcast %mul3A_347 : f32 to vector<16xf32>
        %mul3A_349 = arith.mulf %get3A_346, %mul3A_348 : vector<16xf32>
        %swap3A_350 = arith.constant 1 : i32
        %swap3A_351 = arith.index_cast %swap3A_350 : i32 to index
        %swap3A_352 = arith.index_cast %add3A_310 : i32 to index
        %swap3A_353 = arith.constant 32 : index
        %swap3A_354 = tpu.vector_load %arg6[%swap3A_351, %swap3A_352, %swap3A_353] {strides = array<i32>} : memref<4x200x64xf32, #tpu.memory_space<vmem>>, vector<1x1x16xf32>,
        %swap3A_355 = vector.shape_cast %swap3A_354 : vector<1x1x16xf32> to vector<16xf32>
        %swap3A_356 = vector.shape_cast %mul3A_349 : vector<16xf32> to vector<1x1x16xf32>
        tpu.vector_store %arg6[%swap3A_351, %swap3A_352, %swap3A_353], %swap3A_356 {strides = array<i32>} : memref<4x200x64xf32, #tpu.memory_space<vmem>>, vector<1x1x16xf32>,
        %get3A_357 = arith.constant 1 : i32
        %get3A_358 = arith.index_cast %get3A_357 : i32 to index
        %get3A_359 = arith.index_cast %add3A_310 : i32 to index
        %get3A_360 = arith.constant 48 : index
        %get3A_361 = tpu.vector_load %arg6[%get3A_358, %get3A_359, %get3A_360] {strides = array<i32>} : memref<4x200x64xf32, #tpu.memory_space<vmem>>, vector<1x1x16xf32>,
        %get3A_362 = vector.shape_cast %get3A_361 : vector<1x1x16xf32> to vector<16xf32>
        %mul3A_363 = arith.constant 8.000000e+00 : f32
        %mul3A_364 = vector.broadcast %mul3A_363 : f32 to vector<16xf32>
        %mul3A_365 = arith.mulf %get3A_362, %mul3A_364 : vector<16xf32>
        %swap3A_366 = arith.constant 1 : i32
        %swap3A_367 = arith.index_cast %swap3A_366 : i32 to index
        %swap3A_368 = arith.index_cast %add3A_310 : i32 to index
        %swap3A_369 = arith.constant 48 : index
        %swap3A_370 = tpu.vector_load %arg6[%swap3A_367, %swap3A_368, %swap3A_369] {strides = array<i32>} : memref<4x200x64xf32, #tpu.memory_space<vmem>>, vector<1x1x16xf32>,
        %swap3A_371 = vector.shape_cast %swap3A_370 : vector<1x1x16xf32> to vector<16xf32>
        %swap3A_372 = vector.shape_cast %mul3A_365 : vector<16xf32> to vector<1x1x16xf32>
        tpu.vector_store %arg6[%swap3A_367, %swap3A_368, %swap3A_369], %swap3A_372 {strides = array<i32>} : memref<4x200x64xf32, #tpu.memory_space<vmem>>, vector<1x1x16xf32>,
        %mul3A_373 = arith.constant 4 : i32
        %mul3A_374 = arith.muli %scan3A_306, %mul3A_373 : i32
        %add3A_375 = arith.constant 1 : i32
        %add3A_376 = arith.addi %mul3A_374, %add3A_375 : i32
        %get3A_377 = arith.constant 1 : i32
        %get3A_378 = arith.index_cast %get3A_377 : i32 to index
        %get3A_379 = arith.index_cast %add3A_376 : i32 to index
        %get3A_380 = arith.constant 0 : index
        %get3A_381 = tpu.vector_load %arg6[%get3A_378, %get3A_379, %get3A_380] {strides = array<i32>} : memref<4x200x64xf32, #tpu.memory_space<vmem>>, vector<1x1x16xf32>,
        %get3A_382 = vector.shape_cast %get3A_381 : vector<1x1x16xf32> to vector<16xf32>
        %mul3A_383 = arith.constant 8.000000e+00 : f32
        %mul3A_384 = vector.broadcast %mul3A_383 : f32 to vector<16xf32>
        %mul3A_385 = arith.mulf %get3A_382, %mul3A_384 : vector<16xf32>
        %swap3A_386 = arith.constant 1 : i32
        %swap3A_387 = arith.index_cast %swap3A_386 : i32 to index
        %swap3A_388 = arith.index_cast %add3A_376 : i32 to index
        %swap3A_389 = arith.constant 0 : index
        %swap3A_390 = tpu.vector_load %arg6[%swap3A_387, %swap3A_388, %swap3A_389] {strides = array<i32>} : memref<4x200x64xf32, #tpu.memory_space<vmem>>, vector<1x1x16xf32>,
        %swap3A_391 = vector.shape_cast %swap3A_390 : vector<1x1x16xf32> to vector<16xf32>
        %swap3A_392 = vector.shape_cast %mul3A_385 : vector<16xf32> to vector<1x1x16xf32>
        tpu.vector_store %arg6[%swap3A_387, %swap3A_388, %swap3A_389], %swap3A_392 {strides = array<i32>} : memref<4x200x64xf32, #tpu.memory_space<vmem>>, vector<1x1x16xf32>,
        %get3A_393 = arith.constant 1 : i32
        %get3A_394 = arith.index_cast %get3A_393 : i32 to index
        %get3A_395 = arith.index_cast %add3A_376 : i32 to index
        %get3A_396 = arith.constant 16 : index
        %get3A_397 = tpu.vector_load %arg6[%get3A_394, %get3A_395, %get3A_396] {strides = array<i32>} : memref<4x200x64xf32, #tpu.memory_space<vmem>>, vector<1x1x16xf32>,
        %get3A_398 = vector.shape_cast %get3A_397 : vector<1x1x16xf32> to vector<16xf32>
        %mul3A_399 = arith.constant 8.000000e+00 : f32
        %mul3A_400 = vector.broadcast %mul3A_399 : f32 to vector<16xf32>
        %mul3A_401 = arith.mulf %get3A_398, %mul3A_400 : vector<16xf32>
        %swap3A_402 = arith.constant 1 : i32
        %swap3A_403 = arith.index_cast %swap3A_402 : i32 to index
        %swap3A_404 = arith.index_cast %add3A_376 : i32 to index
        %swap3A_405 = arith.constant 16 : index
        %swap3A_406 = tpu.vector_load %arg6[%swap3A_403, %swap3A_404, %swap3A_405] {strides = array<i32>} : memref<4x200x64xf32, #tpu.memory_space<vmem>>, vector<1x1x16xf32>,
        %swap3A_407 = vector.shape_cast %swap3A_406 : vector<1x1x16xf32> to vector<16xf32>
        %swap3A_408 = vector.shape_cast %mul3A_401 : vector<16xf32> to vector<1x1x16xf32>
        tpu.vector_store %arg6[%swap3A_403, %swap3A_404, %swap3A_405], %swap3A_408 {strides = array<i32>} : memref<4x200x64xf32, #tpu.memory_space<vmem>>, vector<1x1x16xf32>,
        %get3A_409 = arith.constant 1 : i32
        %get3A_410 = arith.index_cast %get3A_409 : i32 to index
        %get3A_411 = arith.index_cast %add3A_376 : i32 to index
        %get3A_412 = arith.constant 32 : index
        %get3A_413 = tpu.vector_load %arg6[%get3A_410, %get3A_411, %get3A_412] {strides = array<i32>} : memref<4x200x64xf32, #tpu.memory_space<vmem>>, vector<1x1x16xf32>,
        %get3A_414 = vector.shape_cast %get3A_413 : vector<1x1x16xf32> to vector<16xf32>
        %mul3A_415 = arith.constant 8.000000e+00 : f32
        %mul3A_416 = vector.broadcast %mul3A_415 : f32 to vector<16xf32>
        %mul3A_417 = arith.mulf %get3A_414, %mul3A_416 : vector<16xf32>
        %swap3A_418 = arith.constant 1 : i32
        %swap3A_419 = arith.index_cast %swap3A_418 : i32 to index
        %swap3A_420 = arith.index_cast %add3A_376 : i32 to index
        %swap3A_421 = arith.constant 32 : index
        %swap3A_422 = tpu.vector_load %arg6[%swap3A_419, %swap3A_420, %swap3A_421] {strides = array<i32>} : memref<4x200x64xf32, #tpu.memory_space<vmem>>, vector<1x1x16xf32>,
        %swap3A_423 = vector.shape_cast %swap3A_422 : vector<1x1x16xf32> to vector<16xf32>
        %swap3A_424 = vector.shape_cast %mul3A_417 : vector<16xf32> to vector<1x1x16xf32>
        tpu.vector_store %arg6[%swap3A_419, %swap3A_420, %swap3A_421], %swap3A_424 {strides = array<i32>} : memref<4x200x64xf32, #tpu.memory_space<vmem>>, vector<1x1x16xf32>,
        %get3A_425 = arith.constant 1 : i32
        %get3A_426 = arith.index_cast %get3A_425 : i32 to index
        %get3A_427 = arith.index_cast %add3A_376 : i32 to index
        %get3A_428 = arith.constant 48 : index
        %get3A_429 = tpu.vector_load %arg6[%get3A_426, %get3A_427, %get3A_428] {strides = array<i32>} : memref<4x200x64xf32, #tpu.memory_space<vmem>>, vector<1x1x16xf32>,
        %get3A_430 = vector.shape_cast %get3A_429 : vector<1x1x16xf32> to vector<16xf32>
        %mul3A_431 = arith.constant 8.000000e+00 : f32
        %mul3A_432 = vector.broadcast %mul3A_431 : f32 to vector<16xf32>
        %mul3A_433 = arith.mulf %get3A_430, %mul3A_432 : vector<16xf32>
        %swap3A_434 = arith.constant 1 : i32
        %swap3A_435 = arith.index_cast %swap3A_434 : i32 to index
        %swap3A_436 = arith.index_cast %add3A_376 : i32 to index
        %swap3A_437 = arith.constant 48 : index
        %swap3A_438 = tpu.vector_load %arg6[%swap3A_435, %swap3A_436, %swap3A_437] {strides = array<i32>} : memref<4x200x64xf32, #tpu.memory_space<vmem>>, vector<1x1x16xf32>,
        %swap3A_439 = vector.shape_cast %swap3A_438 : vector<1x1x16xf32> to vector<16xf32>
        %swap3A_440 = vector.shape_cast %mul3A_433 : vector<16xf32> to vector<1x1x16xf32>
        tpu.vector_store %arg6[%swap3A_435, %swap3A_436, %swap3A_437], %swap3A_440 {strides = array<i32>} : memref<4x200x64xf32, #tpu.memory_space<vmem>>, vector<1x1x16xf32>,
        %mul3A_441 = arith.constant 4 : i32
        %mul3A_442 = arith.muli %scan3A_306, %mul3A_441 : i32
        %add3A_443 = arith.constant 2 : i32
        %add3A_444 = arith.addi %mul3A_442, %add3A_443 : i32
        %get3A_445 = arith.constant 1 : i32
        %get3A_446 = arith.index_cast %get3A_445 : i32 to index
        %get3A_447 = arith.index_cast %add3A_444 : i32 to index
        %get3A_448 = arith.constant 0 : index
        %get3A_449 = tpu.vector_load %arg6[%get3A_446, %get3A_447, %get3A_448] {strides = array<i32>} : memref<4x200x64xf32, #tpu.memory_space<vmem>>, vector<1x1x16xf32>,
        %get3A_450 = vector.shape_cast %get3A_449 : vector<1x1x16xf32> to vector<16xf32>
        %mul3A_451 = arith.constant 8.000000e+00 : f32
        %mul3A_452 = vector.broadcast %mul3A_451 : f32 to vector<16xf32>
        %mul3A_453 = arith.mulf %get3A_450, %mul3A_452 : vector<16xf32>
        %swap3A_454 = arith.constant 1 : i32
        %swap3A_455 = arith.index_cast %swap3A_454 : i32 to index
        %swap3A_456 = arith.index_cast %add3A_444 : i32 to index
        %swap3A_457 = arith.constant 0 : index
        %swap3A_458 = tpu.vector_load %arg6[%swap3A_455, %swap3A_456, %swap3A_457] {strides = array<i32>} : memref<4x200x64xf32, #tpu.memory_space<vmem>>, vector<1x1x16xf32>,
        %swap3A_459 = vector.shape_cast %swap3A_458 : vector<1x1x16xf32> to vector<16xf32>
        %swap3A_460 = vector.shape_cast %mul3A_453 : vector<16xf32> to vector<1x1x16xf32>
        tpu.vector_store %arg6[%swap3A_455, %swap3A_456, %swap3A_457], %swap3A_460 {strides = array<i32>} : memref<4x200x64xf32, #tpu.memory_space<vmem>>, vector<1x1x16xf32>,
        %get3A_461 = arith.constant 1 : i32
        %get3A_462 = arith.index_cast %get3A_461 : i32 to index
        %get3A_463 = arith.index_cast %add3A_444 : i32 to index
        %get3A_464 = arith.constant 16 : index
        %get3A_465 = tpu.vector_load %arg6[%get3A_462, %get3A_463, %get3A_464] {strides = array<i32>} : memref<4x200x64xf32, #tpu.memory_space<vmem>>, vector<1x1x16xf32>,
        %get3A_466 = vector.shape_cast %get3A_465 : vector<1x1x16xf32> to vector<16xf32>
        %mul3A_467 = arith.constant 8.000000e+00 : f32
        %mul3A_468 = vector.broadcast %mul3A_467 : f32 to vector<16xf32>
        %mul3A_469 = arith.mulf %get3A_466, %mul3A_468 : vector<16xf32>
        %swap3A_470 = arith.constant 1 : i32
        %swap3A_471 = arith.index_cast %swap3A_470 : i32 to index
        %swap3A_472 = arith.index_cast %add3A_444 : i32 to index
        %swap3A_473 = arith.constant 16 : index
        %swap3A_474 = tpu.vector_load %arg6[%swap3A_471, %swap3A_472, %swap3A_473] {strides = array<i32>} : memref<4x200x64xf32, #tpu.memory_space<vmem>>, vector<1x1x16xf32>,
        %swap3A_475 = vector.shape_cast %swap3A_474 : vector<1x1x16xf32> to vector<16xf32>
        %swap3A_476 = vector.shape_cast %mul3A_469 : vector<16xf32> to vector<1x1x16xf32>
        tpu.vector_store %arg6[%swap3A_471, %swap3A_472, %swap3A_473], %swap3A_476 {strides = array<i32>} : memref<4x200x64xf32, #tpu.memory_space<vmem>>, vector<1x1x16xf32>,
        %get3A_477 = arith.constant 1 : i32
        %get3A_478 = arith.index_cast %get3A_477 : i32 to index
        %get3A_479 = arith.index_cast %add3A_444 : i32 to index
        %get3A_480 = arith.constant 32 : index
        %get3A_481 = tpu.vector_load %arg6[%get3A_478, %get3A_479, %get3A_480] {strides = array<i32>} : memref<4x200x64xf32, #tpu.memory_space<vmem>>, vector<1x1x16xf32>,
        %get3A_482 = vector.shape_cast %get3A_481 : vector<1x1x16xf32> to vector<16xf32>
        %mul3A_483 = arith.constant 8.000000e+00 : f32
        %mul3A_484 = vector.broadcast %mul3A_483 : f32 to vector<16xf32>
        %mul3A_485 = arith.mulf %get3A_482, %mul3A_484 : vector<16xf32>
        %swap3A_486 = arith.constant 1 : i32
        %swap3A_487 = arith.index_cast %swap3A_486 : i32 to index
        %swap3A_488 = arith.index_cast %add3A_444 : i32 to index
        %swap3A_489 = arith.constant 32 : index
        %swap3A_490 = tpu.vector_load %arg6[%swap3A_487, %swap3A_488, %swap3A_489] {strides = array<i32>} : memref<4x200x64xf32, #tpu.memory_space<vmem>>, vector<1x1x16xf32>,
        %swap3A_491 = vector.shape_cast %swap3A_490 : vector<1x1x16xf32> to vector<16xf32>
        %swap3A_492 = vector.shape_cast %mul3A_485 : vector<16xf32> to vector<1x1x16xf32>
        tpu.vector_store %arg6[%swap3A_487, %swap3A_488, %swap3A_489], %swap3A_492 {strides = array<i32>} : memref<4x200x64xf32, #tpu.memory_space<vmem>>, vector<1x1x16xf32>,
        %get3A_493 = arith.constant 1 : i32
        %get3A_494 = arith.index_cast %get3A_493 : i32 to index
        %get3A_495 = arith.index_cast %add3A_444 : i32 to index
        %get3A_496 = arith.constant 48 : index
        %get3A_497 = tpu.vector_load %arg6[%get3A_494, %get3A_495, %get3A_496] {strides = array<i32>} : memref<4x200x64xf32, #tpu.memory_space<vmem>>, vector<1x1x16xf32>,
        %get3A_498 = vector.shape_cast %get3A_497 : vector<1x1x16xf32> to vector<16xf32>
        %mul3A_499 = arith.constant 8.000000e+00 : f32
        %mul3A_500 = vector.broadcast %mul3A_499 : f32 to vector<16xf32>
        %mul3A_501 = arith.mulf %get3A_498, %mul3A_500 : vector<16xf32>
        %swap3A_502 = arith.constant 1 : i32
        %swap3A_503 = arith.index_cast %swap3A_502 : i32 to index
        %swap3A_504 = arith.index_cast %add3A_444 : i32 to index
        %swap3A_505 = arith.constant 48 : index
        %swap3A_506 = tpu.vector_load %arg6[%swap3A_503, %swap3A_504, %swap3A_505] {strides = array<i32>} : memref<4x200x64xf32, #tpu.memory_space<vmem>>, vector<1x1x16xf32>,
        %swap3A_507 = vector.shape_cast %swap3A_506 : vector<1x1x16xf32> to vector<16xf32>
        %swap3A_508 = vector.shape_cast %mul3A_501 : vector<16xf32> to vector<1x1x16xf32>
        tpu.vector_store %arg6[%swap3A_503, %swap3A_504, %swap3A_505], %swap3A_508 {strides = array<i32>} : memref<4x200x64xf32, #tpu.memory_space<vmem>>, vector<1x1x16xf32>,
        %mul3A_509 = arith.constant 4 : i32
        %mul3A_510 = arith.muli %scan3A_306, %mul3A_509 : i32
        %add3A_511 = arith.constant 3 : i32
        %add3A_512 = arith.addi %mul3A_510, %add3A_511 : i32
        %get3A_513 = arith.constant 1 : i32
        %get3A_514 = arith.index_cast %get3A_513 : i32 to index
        %get3A_515 = arith.index_cast %add3A_512 : i32 to index
        %get3A_516 = arith.constant 0 : index
        %get3A_517 = tpu.vector_load %arg6[%get3A_514, %get3A_515, %get3A_516] {strides = array<i32>} : memref<4x200x64xf32, #tpu.memory_space<vmem>>, vector<1x1x16xf32>,
        %get3A_518 = vector.shape_cast %get3A_517 : vector<1x1x16xf32> to vector<16xf32>
        %mul3A_519 = arith.constant 8.000000e+00 : f32
        %mul3A_520 = vector.broadcast %mul3A_519 : f32 to vector<16xf32>
        %mul3A_521 = arith.mulf %get3A_518, %mul3A_520 : vector<16xf32>
        %swap3A_522 = arith.constant 1 : i32
        %swap3A_523 = arith.index_cast %swap3A_522 : i32 to index
        %swap3A_524 = arith.index_cast %add3A_512 : i32 to index
        %swap3A_525 = arith.constant 0 : index
        %swap3A_526 = tpu.vector_load %arg6[%swap3A_523, %swap3A_524, %swap3A_525] {strides = array<i32>} : memref<4x200x64xf32, #tpu.memory_space<vmem>>, vector<1x1x16xf32>,
        %swap3A_527 = vector.shape_cast %swap3A_526 : vector<1x1x16xf32> to vector<16xf32>
        %swap3A_528 = vector.shape_cast %mul3A_521 : vector<16xf32> to vector<1x1x16xf32>
        tpu.vector_store %arg6[%swap3A_523, %swap3A_524, %swap3A_525], %swap3A_528 {strides = array<i32>} : memref<4x200x64xf32, #tpu.memory_space<vmem>>, vector<1x1x16xf32>,
        %get3A_529 = arith.constant 1 : i32
        %get3A_530 = arith.index_cast %get3A_529 : i32 to index
        %get3A_531 = arith.index_cast %add3A_512 : i32 to index
        %get3A_532 = arith.constant 16 : index
        %get3A_533 = tpu.vector_load %arg6[%get3A_530, %get3A_531, %get3A_532] {strides = array<i32>} : memref<4x200x64xf32, #tpu.memory_space<vmem>>, vector<1x1x16xf32>,
        %get3A_534 = vector.shape_cast %get3A_533 : vector<1x1x16xf32> to vector<16xf32>
        %mul3A_535 = arith.constant 8.000000e+00 : f32
        %mul3A_536 = vector.broadcast %mul3A_535 : f32 to vector<16xf32>
        %mul3A_537 = arith.mulf %get3A_534, %mul3A_536 : vector<16xf32>
        %swap3A_538 = arith.constant 1 : i32
        %swap3A_539 = arith.index_cast %swap3A_538 : i32 to index
        %swap3A_540 = arith.index_cast %add3A_512 : i32 to index
        %swap3A_541 = arith.constant 16 : index
        %swap3A_542 = tpu.vector_load %arg6[%swap3A_539, %swap3A_540, %swap3A_541] {strides = array<i32>} : memref<4x200x64xf32, #tpu.memory_space<vmem>>, vector<1x1x16xf32>,
        %swap3A_543 = vector.shape_cast %swap3A_542 : vector<1x1x16xf32> to vector<16xf32>
        %swap3A_544 = vector.shape_cast %mul3A_537 : vector<16xf32> to vector<1x1x16xf32>
        tpu.vector_store %arg6[%swap3A_539, %swap3A_540, %swap3A_541], %swap3A_544 {strides = array<i32>} : memref<4x200x64xf32, #tpu.memory_space<vmem>>, vector<1x1x16xf32>,
        %get3A_545 = arith.constant 1 : i32
        %get3A_546 = arith.index_cast %get3A_545 : i32 to index
        %get3A_547 = arith.index_cast %add3A_512 : i32 to index
        %get3A_548 = arith.constant 32 : index
        %get3A_549 = tpu.vector_load %arg6[%get3A_546, %get3A_547, %get3A_548] {strides = array<i32>} : memref<4x200x64xf32, #tpu.memory_space<vmem>>, vector<1x1x16xf32>,
        %get3A_550 = vector.shape_cast %get3A_549 : vector<1x1x16xf32> to vector<16xf32>
        %mul3A_551 = arith.constant 8.000000e+00 : f32
        %mul3A_552 = vector.broadcast %mul3A_551 : f32 to vector<16xf32>
        %mul3A_553 = arith.mulf %get3A_550, %mul3A_552 : vector<16xf32>
        %swap3A_554 = arith.constant 1 : i32
        %swap3A_555 = arith.index_cast %swap3A_554 : i32 to index
        %swap3A_556 = arith.index_cast %add3A_512 : i32 to index
        %swap3A_557 = arith.constant 32 : index
        %swap3A_558 = tpu.vector_load %arg6[%swap3A_555, %swap3A_556, %swap3A_557] {strides = array<i32>} : memref<4x200x64xf32, #tpu.memory_space<vmem>>, vector<1x1x16xf32>,
        %swap3A_559 = vector.shape_cast %swap3A_558 : vector<1x1x16xf32> to vector<16xf32>
        %swap3A_560 = vector.shape_cast %mul3A_553 : vector<16xf32> to vector<1x1x16xf32>
        tpu.vector_store %arg6[%swap3A_555, %swap3A_556, %swap3A_557], %swap3A_560 {strides = array<i32>} : memref<4x200x64xf32, #tpu.memory_space<vmem>>, vector<1x1x16xf32>,
        %get3A_561 = arith.constant 1 : i32
        %get3A_562 = arith.index_cast %get3A_561 : i32 to index
        %get3A_563 = arith.index_cast %add3A_512 : i32 to index
        %get3A_564 = arith.constant 48 : index
        %get3A_565 = tpu.vector_load %arg6[%get3A_562, %get3A_563, %get3A_564] {strides = array<i32>} : memref<4x200x64xf32, #tpu.memory_space<vmem>>, vector<1x1x16xf32>,
        %get3A_566 = vector.shape_cast %get3A_565 : vector<1x1x16xf32> to vector<16xf32>
        %mul3A_567 = arith.constant 8.000000e+00 : f32
        %mul3A_568 = vector.broadcast %mul3A_567 : f32 to vector<16xf32>
        %mul3A_569 = arith.mulf %get3A_566, %mul3A_568 : vector<16xf32>
        %swap3A_570 = arith.constant 1 : i32
        %swap3A_571 = arith.index_cast %swap3A_570 : i32 to index
        %swap3A_572 = arith.index_cast %add3A_512 : i32 to index
        %swap3A_573 = arith.constant 48 : index
        %swap3A_574 = tpu.vector_load %arg6[%swap3A_571, %swap3A_572, %swap3A_573] {strides = array<i32>} : memref<4x200x64xf32, #tpu.memory_space<vmem>>, vector<1x1x16xf32>,
        %swap3A_575 = vector.shape_cast %swap3A_574 : vector<1x1x16xf32> to vector<16xf32>
        %swap3A_576 = vector.shape_cast %mul3A_569 : vector<16xf32> to vector<1x1x16xf32>
        tpu.vector_store %arg6[%swap3A_571, %swap3A_572, %swap3A_573], %swap3A_576 {strides = array<i32>} : memref<4x200x64xf32, #tpu.memory_space<vmem>>, vector<1x1x16xf32>,
      }
      %scan3A_192 = arith.constant 50 : i32
      %add3A_193 = arith.addi %mul3A_2, %add3A_175 : i32
      %dma_start3A_194 = arith.constant 1 : i32
      %dma_start3A_195 = arith.constant 0 : i32
      %dma_start3A_196 = arith.constant 0 : i32
      %dma_start3A_197 = tpu.memref_slice %arg6[%dma_start3A_194, %dma_start3A_195, %dma_start3A_196] : memref<4x200x64xf32, #tpu.memory_space<vmem>> -> memref<1x200x64xf32, #tpu.memory_space<vmem>>
      %dma_start3A_198 = tpu.memref_squeeze %dma_start3A_197 : memref<1x200x64xf32, #tpu.memory_space<vmem>> -> memref<200x64xf32, #tpu.memory_space<vmem>>
      %dma_start3A_199 = arith.constant 0 : i32
      %dma_start3A_200 = arith.constant 0 : i32
      %dma_start3A_201 = tpu.memref_slice %arg4[%add3A_193, %dma_start3A_199, %dma_start3A_200] : memref<4096x200x64xf32, #tpu.memory_space<hbm>> -> memref<1x200x64xf32, #tpu.memory_space<hbm>>
      %dma_start3A_202 = tpu.memref_squeeze %dma_start3A_201 : memref<1x200x64xf32, #tpu.memory_space<hbm>> -> memref<200x64xf32, #tpu.memory_space<hbm>>
      %dma_start3A_203 = arith.constant 0 : i32
      %dma_start3A_204 = arith.constant 0 : i32
      %dma_start3A_205 = tpu.memref_slice %arg4[%add3A_193, %dma_start3A_203, %dma_start3A_204] : memref<4096x200x64xf32, #tpu.memory_space<hbm>> -> memref<1x200x64xf32, #tpu.memory_space<hbm>>
      %dma_start3A_206 = tpu.memref_squeeze %dma_start3A_205 : memref<1x200x64xf32, #tpu.memory_space<hbm>> -> memref<200x64xf32, #tpu.memory_space<hbm>>
      %dma_start3A_207 = arith.constant 0 : i32
      %dma_start3A_208 = arith.constant 0 : i32
      %dma_start3A_209 = tpu.memref_slice %arg6[%dma_start3A_194, %dma_start3A_207, %dma_start3A_208] : memref<4x200x64xf32, #tpu.memory_space<vmem>> -> memref<1x200x64xf32, #tpu.memory_space<vmem>>
      %dma_start3A_210 = tpu.memref_squeeze %dma_start3A_209 : memref<1x200x64xf32, #tpu.memory_space<vmem>> -> memref<200x64xf32, #tpu.memory_space<vmem>>
      tpu.enqueue_dma source(%dma_start3A_210 : memref<200x64xf32, #tpu.memory_space<vmem>>) target(%dma_start3A_206 : memref<200x64xf32, #tpu.memory_space<hbm>>) target_semaphore(%arg12 : memref<!tpu.dma_semaphore, #tpu.memory_space<semaphore_mem>>)
      %add3A_211 = arith.constant 4 : i32
      %add3A_212 = arith.addi %add3A_175, %add3A_211 : i32
      %lt3A_213 = arith.constant 128 : i32
      %lt3A_214 = arith.cmpi slt, %add3A_212, %lt3A_213 : i32
      %convert_element_type3A_215 = arith.extui %lt3A_214 : i1 to i32
      %cond3A_216 = arith.constant 0 : i32
      %cond3A_217 = arith.cmpi ne, %convert_element_type3A_215, %cond3A_216 : i32
      scf.if %cond3A_217 {
        %add3A_306 = arith.addi %mul3A_2, %add3A_175 : i32
        %dma_wait3A_307 = arith.constant 1 : i32
        %dma_wait3A_308 = arith.constant 0 : i32
        %dma_wait3A_309 = arith.constant 0 : i32
        %dma_wait3A_310 = tpu.memref_slice %arg6[%dma_wait3A_307, %dma_wait3A_308, %dma_wait3A_309] : memref<4x200x64xf32, #tpu.memory_space<vmem>> -> memref<1x200x64xf32, #tpu.memory_space<vmem>>
        %dma_wait3A_311 = tpu.memref_squeeze %dma_wait3A_310 : memref<1x200x64xf32, #tpu.memory_space<vmem>> -> memref<200x64xf32, #tpu.memory_space<vmem>>
        %dma_wait3A_312 = arith.constant 0 : i32
        %dma_wait3A_313 = arith.constant 0 : i32
        %dma_wait3A_314 = tpu.memref_slice %arg4[%add3A_306, %dma_wait3A_312, %dma_wait3A_313] : memref<4096x200x64xf32, #tpu.memory_space<hbm>> -> memref<1x200x64xf32, #tpu.memory_space<hbm>>
        %dma_wait3A_315 = tpu.memref_squeeze %dma_wait3A_314 : memref<1x200x64xf32, #tpu.memory_space<hbm>> -> memref<200x64xf32, #tpu.memory_space<hbm>>
        %dma_wait3A_316 = arith.constant 0 : i32
        %dma_wait3A_317 = arith.constant 0 : i32
        %dma_wait3A_318 = tpu.memref_slice %arg4[%add3A_306, %dma_wait3A_316, %dma_wait3A_317] : memref<4096x200x64xf32, #tpu.memory_space<hbm>> -> memref<1x200x64xf32, #tpu.memory_space<hbm>>
        %dma_wait3A_319 = tpu.memref_squeeze %dma_wait3A_318 : memref<1x200x64xf32, #tpu.memory_space<hbm>> -> memref<200x64xf32, #tpu.memory_space<hbm>>
        %dma_wait3A_320 = arith.constant 0 : i32
        %dma_wait3A_321 = arith.constant 0 : i32
        %dma_wait3A_322 = tpu.memref_slice %arg6[%dma_wait3A_307, %dma_wait3A_320, %dma_wait3A_321] : memref<4x200x64xf32, #tpu.memory_space<vmem>> -> memref<1x200x64xf32, #tpu.memory_space<vmem>>
        %dma_wait3A_323 = tpu.memref_squeeze %dma_wait3A_322 : memref<1x200x64xf32, #tpu.memory_space<vmem>> -> memref<200x64xf32, #tpu.memory_space<vmem>>
        tpu.wait_dma2 semaphore(%arg12 : memref<!tpu.dma_semaphore, #tpu.memory_space<semaphore_mem>>) src(%dma_wait3A_323 : memref<200x64xf32, #tpu.memory_space<vmem>>) dst(%dma_wait3A_319 : memref<200x64xf32, #tpu.memory_space<hbm>>)
        %add3A_324 = arith.constant 4 : i32
        %add3A_325 = arith.addi %add3A_175, %add3A_324 : i32
        %dma_start3A_326 = arith.constant 1 : i32
        %dma_start3A_327 = arith.constant 0 : i32
        %dma_start3A_328 = arith.constant 0 : i32
        %dma_start3A_329 = tpu.memref_slice %arg6[%dma_start3A_326, %dma_start3A_327, %dma_start3A_328] : memref<4x200x64xf32, #tpu.memory_space<vmem>> -> memref<1x200x64xf32, #tpu.memory_space<vmem>>
        %dma_start3A_330 = tpu.memref_squeeze %dma_start3A_329 : memref<1x200x64xf32, #tpu.memory_space<vmem>> -> memref<200x64xf32, #tpu.memory_space<vmem>>
        %dma_start3A_331 = arith.constant 0 : i32
        %dma_start3A_332 = tpu.memref_slice %arg5[%add3A_325, %dma_start3A_331] : memref<128x200xi32, #tpu.memory_space<vmem>> -> memref<1x200xi32, #tpu.memory_space<vmem>>
        %dma_start3A_333 = tpu.memref_squeeze %dma_start3A_332 : memref<1x200xi32, #tpu.memory_space<vmem>> -> memref<200xi32, #tpu.memory_space<vmem>>
        %dma_start3A_334 = arith.constant 0 : i32
        %dma_start3A_335 = arith.constant 0 : i32
        %dma_start3A_336 = tpu.memref_slice %arg3[%dma_start3A_334, %dma_start3A_335] : memref<1000000x64xf32, #tpu.memory_space<hbm>> -> memref<1000000x64xf32, #tpu.memory_space<hbm>>
        tpu.enqueue_indirect_dma source(%dma_start3A_336 : memref<1000000x64xf32, #tpu.memory_space<hbm>>) target(%dma_start3A_330 : memref<200x64xf32, #tpu.memory_space<vmem>>) offsets(%dma_start3A_333 : memref<200xi32, #tpu.memory_space<vmem>>) semaphore(%arg8 : memref<!tpu.dma_semaphore, #tpu.memory_space<semaphore_mem>>)
      } else {
      }
      %add3A_218 = arith.constant 2 : i32
      %add3A_219 = arith.addi %mul3A_132, %add3A_218 : i32
      %dma_wait3A_220 = arith.constant 2 : i32
      %dma_wait3A_221 = arith.constant 0 : i32
      %dma_wait3A_222 = arith.constant 0 : i32
      %dma_wait3A_223 = tpu.memref_slice %arg6[%dma_wait3A_220, %dma_wait3A_221, %dma_wait3A_222] : memref<4x200x64xf32, #tpu.memory_space<vmem>> -> memref<1x200x64xf32, #tpu.memory_space<vmem>>
      %dma_wait3A_224 = tpu.memref_squeeze %dma_wait3A_223 : memref<1x200x64xf32, #tpu.memory_space<vmem>> -> memref<200x64xf32, #tpu.memory_space<vmem>>
      %dma_wait3A_225 = arith.constant 0 : i32
      %dma_wait3A_226 = tpu.memref_slice %arg5[%add3A_219, %dma_wait3A_225] : memref<128x200xi32, #tpu.memory_space<vmem>> -> memref<1x200xi32, #tpu.memory_space<vmem>>
      %dma_wait3A_227 = tpu.memref_squeeze %dma_wait3A_226 : memref<1x200xi32, #tpu.memory_space<vmem>> -> memref<200xi32, #tpu.memory_space<vmem>>
      %dma_wait3A_228 = arith.constant 0 : i32
      %dma_wait3A_229 = arith.constant 0 : i32
      %dma_wait3A_230 = tpu.memref_slice %arg3[%dma_wait3A_228, %dma_wait3A_229] : memref<1000000x64xf32, #tpu.memory_space<hbm>> -> memref<1000000x64xf32, #tpu.memory_space<hbm>>
      tpu.wait_indirect_dma semaphore(%arg9 : memref<!tpu.dma_semaphore, #tpu.memory_space<semaphore_mem>>) src(%dma_wait3A_230 : memref<1000000x64xf32, #tpu.memory_space<hbm>>) dst(%dma_wait3A_224 : memref<200x64xf32, #tpu.memory_space<vmem>>)
      %scan3A_231 = arith.constant 0 : i32
      %scan3A_232 = arith.constant 0 : i32
      %scan3A_233 = arith.constant 50 : i32
      %scan3A_234 = arith.addi %scan3A_232, %scan3A_233 : i32
      %scan3A_235 = arith.constant 1 : i32
      scf.for %scan3A_306 = %scan3A_232 to %scan3A_234 step %scan3A_235  : i32 {
        %mul3A_307 = arith.constant 4 : i32
        %mul3A_308 = arith.muli %scan3A_306, %mul3A_307 : i32
        %add3A_309 = arith.constant 0 : i32
        %add3A_310 = arith.addi %mul3A_308, %add3A_309 : i32
        %get3A = arith.constant 2 : i32
        %get3A_311 = arith.index_cast %get3A : i32 to index
        %get3A_312 = arith.index_cast %add3A_310 : i32 to index
        %get3A_313 = arith.constant 0 : index
        %get3A_314 = tpu.vector_load %arg6[%get3A_311, %get3A_312, %get3A_313] {strides = array<i32>} : memref<4x200x64xf32, #tpu.memory_space<vmem>>, vector<1x1x16xf32>,
        %get3A_315 = vector.shape_cast %get3A_314 : vector<1x1x16xf32> to vector<16xf32>
        %mul3A_316 = arith.constant 8.000000e+00 : f32
        %mul3A_317 = vector.broadcast %mul3A_316 : f32 to vector<16xf32>
        %mul3A_318 = arith.mulf %get3A_315, %mul3A_317 : vector<16xf32>
        %swap3A = arith.constant 2 : i32
        %swap3A_319 = arith.index_cast %swap3A : i32 to index
        %swap3A_320 = arith.index_cast %add3A_310 : i32 to index
        %swap3A_321 = arith.constant 0 : index
        %swap3A_322 = tpu.vector_load %arg6[%swap3A_319, %swap3A_320, %swap3A_321] {strides = array<i32>} : memref<4x200x64xf32, #tpu.memory_space<vmem>>, vector<1x1x16xf32>,
        %swap3A_323 = vector.shape_cast %swap3A_322 : vector<1x1x16xf32> to vector<16xf32>
        %swap3A_324 = vector.shape_cast %mul3A_318 : vector<16xf32> to vector<1x1x16xf32>
        tpu.vector_store %arg6[%swap3A_319, %swap3A_320, %swap3A_321], %swap3A_324 {strides = array<i32>} : memref<4x200x64xf32, #tpu.memory_space<vmem>>, vector<1x1x16xf32>,
        %get3A_325 = arith.constant 2 : i32
        %get3A_326 = arith.index_cast %get3A_325 : i32 to index
        %get3A_327 = arith.index_cast %add3A_310 : i32 to index
        %get3A_328 = arith.constant 16 : index
        %get3A_329 = tpu.vector_load %arg6[%get3A_326, %get3A_327, %get3A_328] {strides = array<i32>} : memref<4x200x64xf32, #tpu.memory_space<vmem>>, vector<1x1x16xf32>,
        %get3A_330 = vector.shape_cast %get3A_329 : vector<1x1x16xf32> to vector<16xf32>
        %mul3A_331 = arith.constant 8.000000e+00 : f32
        %mul3A_332 = vector.broadcast %mul3A_331 : f32 to vector<16xf32>
        %mul3A_333 = arith.mulf %get3A_330, %mul3A_332 : vector<16xf32>
        %swap3A_334 = arith.constant 2 : i32
        %swap3A_335 = arith.index_cast %swap3A_334 : i32 to index
        %swap3A_336 = arith.index_cast %add3A_310 : i32 to index
        %swap3A_337 = arith.constant 16 : index
        %swap3A_338 = tpu.vector_load %arg6[%swap3A_335, %swap3A_336, %swap3A_337] {strides = array<i32>} : memref<4x200x64xf32, #tpu.memory_space<vmem>>, vector<1x1x16xf32>,
        %swap3A_339 = vector.shape_cast %swap3A_338 : vector<1x1x16xf32> to vector<16xf32>
        %swap3A_340 = vector.shape_cast %mul3A_333 : vector<16xf32> to vector<1x1x16xf32>
        tpu.vector_store %arg6[%swap3A_335, %swap3A_336, %swap3A_337], %swap3A_340 {strides = array<i32>} : memref<4x200x64xf32, #tpu.memory_space<vmem>>, vector<1x1x16xf32>,
        %get3A_341 = arith.constant 2 : i32
        %get3A_342 = arith.index_cast %get3A_341 : i32 to index
        %get3A_343 = arith.index_cast %add3A_310 : i32 to index
        %get3A_344 = arith.constant 32 : index
        %get3A_345 = tpu.vector_load %arg6[%get3A_342, %get3A_343, %get3A_344] {strides = array<i32>} : memref<4x200x64xf32, #tpu.memory_space<vmem>>, vector<1x1x16xf32>,
        %get3A_346 = vector.shape_cast %get3A_345 : vector<1x1x16xf32> to vector<16xf32>
        %mul3A_347 = arith.constant 8.000000e+00 : f32
        %mul3A_348 = vector.broadcast %mul3A_347 : f32 to vector<16xf32>
        %mul3A_349 = arith.mulf %get3A_346, %mul3A_348 : vector<16xf32>
        %swap3A_350 = arith.constant 2 : i32
        %swap3A_351 = arith.index_cast %swap3A_350 : i32 to index
        %swap3A_352 = arith.index_cast %add3A_310 : i32 to index
        %swap3A_353 = arith.constant 32 : index
        %swap3A_354 = tpu.vector_load %arg6[%swap3A_351, %swap3A_352, %swap3A_353] {strides = array<i32>} : memref<4x200x64xf32, #tpu.memory_space<vmem>>, vector<1x1x16xf32>,
        %swap3A_355 = vector.shape_cast %swap3A_354 : vector<1x1x16xf32> to vector<16xf32>
        %swap3A_356 = vector.shape_cast %mul3A_349 : vector<16xf32> to vector<1x1x16xf32>
        tpu.vector_store %arg6[%swap3A_351, %swap3A_352, %swap3A_353], %swap3A_356 {strides = array<i32>} : memref<4x200x64xf32, #tpu.memory_space<vmem>>, vector<1x1x16xf32>,
        %get3A_357 = arith.constant 2 : i32
        %get3A_358 = arith.index_cast %get3A_357 : i32 to index
        %get3A_359 = arith.index_cast %add3A_310 : i32 to index
        %get3A_360 = arith.constant 48 : index
        %get3A_361 = tpu.vector_load %arg6[%get3A_358, %get3A_359, %get3A_360] {strides = array<i32>} : memref<4x200x64xf32, #tpu.memory_space<vmem>>, vector<1x1x16xf32>,
        %get3A_362 = vector.shape_cast %get3A_361 : vector<1x1x16xf32> to vector<16xf32>
        %mul3A_363 = arith.constant 8.000000e+00 : f32
        %mul3A_364 = vector.broadcast %mul3A_363 : f32 to vector<16xf32>
        %mul3A_365 = arith.mulf %get3A_362, %mul3A_364 : vector<16xf32>
        %swap3A_366 = arith.constant 2 : i32
        %swap3A_367 = arith.index_cast %swap3A_366 : i32 to index
        %swap3A_368 = arith.index_cast %add3A_310 : i32 to index
        %swap3A_369 = arith.constant 48 : index
        %swap3A_370 = tpu.vector_load %arg6[%swap3A_367, %swap3A_368, %swap3A_369] {strides = array<i32>} : memref<4x200x64xf32, #tpu.memory_space<vmem>>, vector<1x1x16xf32>,
        %swap3A_371 = vector.shape_cast %swap3A_370 : vector<1x1x16xf32> to vector<16xf32>
        %swap3A_372 = vector.shape_cast %mul3A_365 : vector<16xf32> to vector<1x1x16xf32>
        tpu.vector_store %arg6[%swap3A_367, %swap3A_368, %swap3A_369], %swap3A_372 {strides = array<i32>} : memref<4x200x64xf32, #tpu.memory_space<vmem>>, vector<1x1x16xf32>,
        %mul3A_373 = arith.constant 4 : i32
        %mul3A_374 = arith.muli %scan3A_306, %mul3A_373 : i32
        %add3A_375 = arith.constant 1 : i32
        %add3A_376 = arith.addi %mul3A_374, %add3A_375 : i32
        %get3A_377 = arith.constant 2 : i32
        %get3A_378 = arith.index_cast %get3A_377 : i32 to index
        %get3A_379 = arith.index_cast %add3A_376 : i32 to index
        %get3A_380 = arith.constant 0 : index
        %get3A_381 = tpu.vector_load %arg6[%get3A_378, %get3A_379, %get3A_380] {strides = array<i32>} : memref<4x200x64xf32, #tpu.memory_space<vmem>>, vector<1x1x16xf32>,
        %get3A_382 = vector.shape_cast %get3A_381 : vector<1x1x16xf32> to vector<16xf32>
        %mul3A_383 = arith.constant 8.000000e+00 : f32
        %mul3A_384 = vector.broadcast %mul3A_383 : f32 to vector<16xf32>
        %mul3A_385 = arith.mulf %get3A_382, %mul3A_384 : vector<16xf32>
        %swap3A_386 = arith.constant 2 : i32
        %swap3A_387 = arith.index_cast %swap3A_386 : i32 to index
        %swap3A_388 = arith.index_cast %add3A_376 : i32 to index
        %swap3A_389 = arith.constant 0 : index
        %swap3A_390 = tpu.vector_load %arg6[%swap3A_387, %swap3A_388, %swap3A_389] {strides = array<i32>} : memref<4x200x64xf32, #tpu.memory_space<vmem>>, vector<1x1x16xf32>,
        %swap3A_391 = vector.shape_cast %swap3A_390 : vector<1x1x16xf32> to vector<16xf32>
        %swap3A_392 = vector.shape_cast %mul3A_385 : vector<16xf32> to vector<1x1x16xf32>
        tpu.vector_store %arg6[%swap3A_387, %swap3A_388, %swap3A_389], %swap3A_392 {strides = array<i32>} : memref<4x200x64xf32, #tpu.memory_space<vmem>>, vector<1x1x16xf32>,
        %get3A_393 = arith.constant 2 : i32
        %get3A_394 = arith.index_cast %get3A_393 : i32 to index
        %get3A_395 = arith.index_cast %add3A_376 : i32 to index
        %get3A_396 = arith.constant 16 : index
        %get3A_397 = tpu.vector_load %arg6[%get3A_394, %get3A_395, %get3A_396] {strides = array<i32>} : memref<4x200x64xf32, #tpu.memory_space<vmem>>, vector<1x1x16xf32>,
        %get3A_398 = vector.shape_cast %get3A_397 : vector<1x1x16xf32> to vector<16xf32>
        %mul3A_399 = arith.constant 8.000000e+00 : f32
        %mul3A_400 = vector.broadcast %mul3A_399 : f32 to vector<16xf32>
        %mul3A_401 = arith.mulf %get3A_398, %mul3A_400 : vector<16xf32>
        %swap3A_402 = arith.constant 2 : i32
        %swap3A_403 = arith.index_cast %swap3A_402 : i32 to index
        %swap3A_404 = arith.index_cast %add3A_376 : i32 to index
        %swap3A_405 = arith.constant 16 : index
        %swap3A_406 = tpu.vector_load %arg6[%swap3A_403, %swap3A_404, %swap3A_405] {strides = array<i32>} : memref<4x200x64xf32, #tpu.memory_space<vmem>>, vector<1x1x16xf32>,
        %swap3A_407 = vector.shape_cast %swap3A_406 : vector<1x1x16xf32> to vector<16xf32>
        %swap3A_408 = vector.shape_cast %mul3A_401 : vector<16xf32> to vector<1x1x16xf32>
        tpu.vector_store %arg6[%swap3A_403, %swap3A_404, %swap3A_405], %swap3A_408 {strides = array<i32>} : memref<4x200x64xf32, #tpu.memory_space<vmem>>, vector<1x1x16xf32>,
        %get3A_409 = arith.constant 2 : i32
        %get3A_410 = arith.index_cast %get3A_409 : i32 to index
        %get3A_411 = arith.index_cast %add3A_376 : i32 to index
        %get3A_412 = arith.constant 32 : index
        %get3A_413 = tpu.vector_load %arg6[%get3A_410, %get3A_411, %get3A_412] {strides = array<i32>} : memref<4x200x64xf32, #tpu.memory_space<vmem>>, vector<1x1x16xf32>,
        %get3A_414 = vector.shape_cast %get3A_413 : vector<1x1x16xf32> to vector<16xf32>
        %mul3A_415 = arith.constant 8.000000e+00 : f32
        %mul3A_416 = vector.broadcast %mul3A_415 : f32 to vector<16xf32>
        %mul3A_417 = arith.mulf %get3A_414, %mul3A_416 : vector<16xf32>
        %swap3A_418 = arith.constant 2 : i32
        %swap3A_419 = arith.index_cast %swap3A_418 : i32 to index
        %swap3A_420 = arith.index_cast %add3A_376 : i32 to index
        %swap3A_421 = arith.constant 32 : index
        %swap3A_422 = tpu.vector_load %arg6[%swap3A_419, %swap3A_420, %swap3A_421] {strides = array<i32>} : memref<4x200x64xf32, #tpu.memory_space<vmem>>, vector<1x1x16xf32>,
        %swap3A_423 = vector.shape_cast %swap3A_422 : vector<1x1x16xf32> to vector<16xf32>
        %swap3A_424 = vector.shape_cast %mul3A_417 : vector<16xf32> to vector<1x1x16xf32>
        tpu.vector_store %arg6[%swap3A_419, %swap3A_420, %swap3A_421], %swap3A_424 {strides = array<i32>} : memref<4x200x64xf32, #tpu.memory_space<vmem>>, vector<1x1x16xf32>,
        %get3A_425 = arith.constant 2 : i32
        %get3A_426 = arith.index_cast %get3A_425 : i32 to index
        %get3A_427 = arith.index_cast %add3A_376 : i32 to index
        %get3A_428 = arith.constant 48 : index
        %get3A_429 = tpu.vector_load %arg6[%get3A_426, %get3A_427, %get3A_428] {strides = array<i32>} : memref<4x200x64xf32, #tpu.memory_space<vmem>>, vector<1x1x16xf32>,
        %get3A_430 = vector.shape_cast %get3A_429 : vector<1x1x16xf32> to vector<16xf32>
        %mul3A_431 = arith.constant 8.000000e+00 : f32
        %mul3A_432 = vector.broadcast %mul3A_431 : f32 to vector<16xf32>
        %mul3A_433 = arith.mulf %get3A_430, %mul3A_432 : vector<16xf32>
        %swap3A_434 = arith.constant 2 : i32
        %swap3A_435 = arith.index_cast %swap3A_434 : i32 to index
        %swap3A_436 = arith.index_cast %add3A_376 : i32 to index
        %swap3A_437 = arith.constant 48 : index
        %swap3A_438 = tpu.vector_load %arg6[%swap3A_435, %swap3A_436, %swap3A_437] {strides = array<i32>} : memref<4x200x64xf32, #tpu.memory_space<vmem>>, vector<1x1x16xf32>,
        %swap3A_439 = vector.shape_cast %swap3A_438 : vector<1x1x16xf32> to vector<16xf32>
        %swap3A_440 = vector.shape_cast %mul3A_433 : vector<16xf32> to vector<1x1x16xf32>
        tpu.vector_store %arg6[%swap3A_435, %swap3A_436, %swap3A_437], %swap3A_440 {strides = array<i32>} : memref<4x200x64xf32, #tpu.memory_space<vmem>>, vector<1x1x16xf32>,
        %mul3A_441 = arith.constant 4 : i32
        %mul3A_442 = arith.muli %scan3A_306, %mul3A_441 : i32
        %add3A_443 = arith.constant 2 : i32
        %add3A_444 = arith.addi %mul3A_442, %add3A_443 : i32
        %get3A_445 = arith.constant 2 : i32
        %get3A_446 = arith.index_cast %get3A_445 : i32 to index
        %get3A_447 = arith.index_cast %add3A_444 : i32 to index
        %get3A_448 = arith.constant 0 : index
        %get3A_449 = tpu.vector_load %arg6[%get3A_446, %get3A_447, %get3A_448] {strides = array<i32>} : memref<4x200x64xf32, #tpu.memory_space<vmem>>, vector<1x1x16xf32>,
        %get3A_450 = vector.shape_cast %get3A_449 : vector<1x1x16xf32> to vector<16xf32>
        %mul3A_451 = arith.constant 8.000000e+00 : f32
        %mul3A_452 = vector.broadcast %mul3A_451 : f32 to vector<16xf32>
        %mul3A_453 = arith.mulf %get3A_450, %mul3A_452 : vector<16xf32>
        %swap3A_454 = arith.constant 2 : i32
        %swap3A_455 = arith.index_cast %swap3A_454 : i32 to index
        %swap3A_456 = arith.index_cast %add3A_444 : i32 to index
        %swap3A_457 = arith.constant 0 : index
        %swap3A_458 = tpu.vector_load %arg6[%swap3A_455, %swap3A_456, %swap3A_457] {strides = array<i32>} : memref<4x200x64xf32, #tpu.memory_space<vmem>>, vector<1x1x16xf32>,
        %swap3A_459 = vector.shape_cast %swap3A_458 : vector<1x1x16xf32> to vector<16xf32>
        %swap3A_460 = vector.shape_cast %mul3A_453 : vector<16xf32> to vector<1x1x16xf32>
        tpu.vector_store %arg6[%swap3A_455, %swap3A_456, %swap3A_457], %swap3A_460 {strides = array<i32>} : memref<4x200x64xf32, #tpu.memory_space<vmem>>, vector<1x1x16xf32>,
        %get3A_461 = arith.constant 2 : i32
        %get3A_462 = arith.index_cast %get3A_461 : i32 to index
        %get3A_463 = arith.index_cast %add3A_444 : i32 to index
        %get3A_464 = arith.constant 16 : index
        %get3A_465 = tpu.vector_load %arg6[%get3A_462, %get3A_463, %get3A_464] {strides = array<i32>} : memref<4x200x64xf32, #tpu.memory_space<vmem>>, vector<1x1x16xf32>,
        %get3A_466 = vector.shape_cast %get3A_465 : vector<1x1x16xf32> to vector<16xf32>
        %mul3A_467 = arith.constant 8.000000e+00 : f32
        %mul3A_468 = vector.broadcast %mul3A_467 : f32 to vector<16xf32>
        %mul3A_469 = arith.mulf %get3A_466, %mul3A_468 : vector<16xf32>
        %swap3A_470 = arith.constant 2 : i32
        %swap3A_471 = arith.index_cast %swap3A_470 : i32 to index
        %swap3A_472 = arith.index_cast %add3A_444 : i32 to index
        %swap3A_473 = arith.constant 16 : index
        %swap3A_474 = tpu.vector_load %arg6[%swap3A_471, %swap3A_472, %swap3A_473] {strides = array<i32>} : memref<4x200x64xf32, #tpu.memory_space<vmem>>, vector<1x1x16xf32>,
        %swap3A_475 = vector.shape_cast %swap3A_474 : vector<1x1x16xf32> to vector<16xf32>
        %swap3A_476 = vector.shape_cast %mul3A_469 : vector<16xf32> to vector<1x1x16xf32>
        tpu.vector_store %arg6[%swap3A_471, %swap3A_472, %swap3A_473], %swap3A_476 {strides = array<i32>} : memref<4x200x64xf32, #tpu.memory_space<vmem>>, vector<1x1x16xf32>,
        %get3A_477 = arith.constant 2 : i32
        %get3A_478 = arith.index_cast %get3A_477 : i32 to index
        %get3A_479 = arith.index_cast %add3A_444 : i32 to index
        %get3A_480 = arith.constant 32 : index
        %get3A_481 = tpu.vector_load %arg6[%get3A_478, %get3A_479, %get3A_480] {strides = array<i32>} : memref<4x200x64xf32, #tpu.memory_space<vmem>>, vector<1x1x16xf32>,
        %get3A_482 = vector.shape_cast %get3A_481 : vector<1x1x16xf32> to vector<16xf32>
        %mul3A_483 = arith.constant 8.000000e+00 : f32
        %mul3A_484 = vector.broadcast %mul3A_483 : f32 to vector<16xf32>
        %mul3A_485 = arith.mulf %get3A_482, %mul3A_484 : vector<16xf32>
        %swap3A_486 = arith.constant 2 : i32
        %swap3A_487 = arith.index_cast %swap3A_486 : i32 to index
        %swap3A_488 = arith.index_cast %add3A_444 : i32 to index
        %swap3A_489 = arith.constant 32 : index
        %swap3A_490 = tpu.vector_load %arg6[%swap3A_487, %swap3A_488, %swap3A_489] {strides = array<i32>} : memref<4x200x64xf32, #tpu.memory_space<vmem>>, vector<1x1x16xf32>,
        %swap3A_491 = vector.shape_cast %swap3A_490 : vector<1x1x16xf32> to vector<16xf32>
        %swap3A_492 = vector.shape_cast %mul3A_485 : vector<16xf32> to vector<1x1x16xf32>
        tpu.vector_store %arg6[%swap3A_487, %swap3A_488, %swap3A_489], %swap3A_492 {strides = array<i32>} : memref<4x200x64xf32, #tpu.memory_space<vmem>>, vector<1x1x16xf32>,
        %get3A_493 = arith.constant 2 : i32
        %get3A_494 = arith.index_cast %get3A_493 : i32 to index
        %get3A_495 = arith.index_cast %add3A_444 : i32 to index
        %get3A_496 = arith.constant 48 : index
        %get3A_497 = tpu.vector_load %arg6[%get3A_494, %get3A_495, %get3A_496] {strides = array<i32>} : memref<4x200x64xf32, #tpu.memory_space<vmem>>, vector<1x1x16xf32>,
        %get3A_498 = vector.shape_cast %get3A_497 : vector<1x1x16xf32> to vector<16xf32>
        %mul3A_499 = arith.constant 8.000000e+00 : f32
        %mul3A_500 = vector.broadcast %mul3A_499 : f32 to vector<16xf32>
        %mul3A_501 = arith.mulf %get3A_498, %mul3A_500 : vector<16xf32>
        %swap3A_502 = arith.constant 2 : i32
        %swap3A_503 = arith.index_cast %swap3A_502 : i32 to index
        %swap3A_504 = arith.index_cast %add3A_444 : i32 to index
        %swap3A_505 = arith.constant 48 : index
        %swap3A_506 = tpu.vector_load %arg6[%swap3A_503, %swap3A_504, %swap3A_505] {strides = array<i32>} : memref<4x200x64xf32, #tpu.memory_space<vmem>>, vector<1x1x16xf32>,
        %swap3A_507 = vector.shape_cast %swap3A_506 : vector<1x1x16xf32> to vector<16xf32>
        %swap3A_508 = vector.shape_cast %mul3A_501 : vector<16xf32> to vector<1x1x16xf32>
        tpu.vector_store %arg6[%swap3A_503, %swap3A_504, %swap3A_505], %swap3A_508 {strides = array<i32>} : memref<4x200x64xf32, #tpu.memory_space<vmem>>, vector<1x1x16xf32>,
        %mul3A_509 = arith.constant 4 : i32
        %mul3A_510 = arith.muli %scan3A_306, %mul3A_509 : i32
        %add3A_511 = arith.constant 3 : i32
        %add3A_512 = arith.addi %mul3A_510, %add3A_511 : i32
        %get3A_513 = arith.constant 2 : i32
        %get3A_514 = arith.index_cast %get3A_513 : i32 to index
        %get3A_515 = arith.index_cast %add3A_512 : i32 to index
        %get3A_516 = arith.constant 0 : index
        %get3A_517 = tpu.vector_load %arg6[%get3A_514, %get3A_515, %get3A_516] {strides = array<i32>} : memref<4x200x64xf32, #tpu.memory_space<vmem>>, vector<1x1x16xf32>,
        %get3A_518 = vector.shape_cast %get3A_517 : vector<1x1x16xf32> to vector<16xf32>
        %mul3A_519 = arith.constant 8.000000e+00 : f32
        %mul3A_520 = vector.broadcast %mul3A_519 : f32 to vector<16xf32>
        %mul3A_521 = arith.mulf %get3A_518, %mul3A_520 : vector<16xf32>
        %swap3A_522 = arith.constant 2 : i32
        %swap3A_523 = arith.index_cast %swap3A_522 : i32 to index
        %swap3A_524 = arith.index_cast %add3A_512 : i32 to index
        %swap3A_525 = arith.constant 0 : index
        %swap3A_526 = tpu.vector_load %arg6[%swap3A_523, %swap3A_524, %swap3A_525] {strides = array<i32>} : memref<4x200x64xf32, #tpu.memory_space<vmem>>, vector<1x1x16xf32>,
        %swap3A_527 = vector.shape_cast %swap3A_526 : vector<1x1x16xf32> to vector<16xf32>
        %swap3A_528 = vector.shape_cast %mul3A_521 : vector<16xf32> to vector<1x1x16xf32>
        tpu.vector_store %arg6[%swap3A_523, %swap3A_524, %swap3A_525], %swap3A_528 {strides = array<i32>} : memref<4x200x64xf32, #tpu.memory_space<vmem>>, vector<1x1x16xf32>,
        %get3A_529 = arith.constant 2 : i32
        %get3A_530 = arith.index_cast %get3A_529 : i32 to index
        %get3A_531 = arith.index_cast %add3A_512 : i32 to index
        %get3A_532 = arith.constant 16 : index
        %get3A_533 = tpu.vector_load %arg6[%get3A_530, %get3A_531, %get3A_532] {strides = array<i32>} : memref<4x200x64xf32, #tpu.memory_space<vmem>>, vector<1x1x16xf32>,
        %get3A_534 = vector.shape_cast %get3A_533 : vector<1x1x16xf32> to vector<16xf32>
        %mul3A_535 = arith.constant 8.000000e+00 : f32
        %mul3A_536 = vector.broadcast %mul3A_535 : f32 to vector<16xf32>
        %mul3A_537 = arith.mulf %get3A_534, %mul3A_536 : vector<16xf32>
        %swap3A_538 = arith.constant 2 : i32
        %swap3A_539 = arith.index_cast %swap3A_538 : i32 to index
        %swap3A_540 = arith.index_cast %add3A_512 : i32 to index
        %swap3A_541 = arith.constant 16 : index
        %swap3A_542 = tpu.vector_load %arg6[%swap3A_539, %swap3A_540, %swap3A_541] {strides = array<i32>} : memref<4x200x64xf32, #tpu.memory_space<vmem>>, vector<1x1x16xf32>,
        %swap3A_543 = vector.shape_cast %swap3A_542 : vector<1x1x16xf32> to vector<16xf32>
        %swap3A_544 = vector.shape_cast %mul3A_537 : vector<16xf32> to vector<1x1x16xf32>
        tpu.vector_store %arg6[%swap3A_539, %swap3A_540, %swap3A_541], %swap3A_544 {strides = array<i32>} : memref<4x200x64xf32, #tpu.memory_space<vmem>>, vector<1x1x16xf32>,
        %get3A_545 = arith.constant 2 : i32
        %get3A_546 = arith.index_cast %get3A_545 : i32 to index
        %get3A_547 = arith.index_cast %add3A_512 : i32 to index
        %get3A_548 = arith.constant 32 : index
        %get3A_549 = tpu.vector_load %arg6[%get3A_546, %get3A_547, %get3A_548] {strides = array<i32>} : memref<4x200x64xf32, #tpu.memory_space<vmem>>, vector<1x1x16xf32>,
        %get3A_550 = vector.shape_cast %get3A_549 : vector<1x1x16xf32> to vector<16xf32>
        %mul3A_551 = arith.constant 8.000000e+00 : f32
        %mul3A_552 = vector.broadcast %mul3A_551 : f32 to vector<16xf32>
        %mul3A_553 = arith.mulf %get3A_550, %mul3A_552 : vector<16xf32>
        %swap3A_554 = arith.constant 2 : i32
        %swap3A_555 = arith.index_cast %swap3A_554 : i32 to index
        %swap3A_556 = arith.index_cast %add3A_512 : i32 to index
        %swap3A_557 = arith.constant 32 : index
        %swap3A_558 = tpu.vector_load %arg6[%swap3A_555, %swap3A_556, %swap3A_557] {strides = array<i32>} : memref<4x200x64xf32, #tpu.memory_space<vmem>>, vector<1x1x16xf32>,
        %swap3A_559 = vector.shape_cast %swap3A_558 : vector<1x1x16xf32> to vector<16xf32>
        %swap3A_560 = vector.shape_cast %mul3A_553 : vector<16xf32> to vector<1x1x16xf32>
        tpu.vector_store %arg6[%swap3A_555, %swap3A_556, %swap3A_557], %swap3A_560 {strides = array<i32>} : memref<4x200x64xf32, #tpu.memory_space<vmem>>, vector<1x1x16xf32>,
        %get3A_561 = arith.constant 2 : i32
        %get3A_562 = arith.index_cast %get3A_561 : i32 to index
        %get3A_563 = arith.index_cast %add3A_512 : i32 to index
        %get3A_564 = arith.constant 48 : index
        %get3A_565 = tpu.vector_load %arg6[%get3A_562, %get3A_563, %get3A_564] {strides = array<i32>} : memref<4x200x64xf32, #tpu.memory_space<vmem>>, vector<1x1x16xf32>,
        %get3A_566 = vector.shape_cast %get3A_565 : vector<1x1x16xf32> to vector<16xf32>
        %mul3A_567 = arith.constant 8.000000e+00 : f32
        %mul3A_568 = vector.broadcast %mul3A_567 : f32 to vector<16xf32>
        %mul3A_569 = arith.mulf %get3A_566, %mul3A_568 : vector<16xf32>
        %swap3A_570 = arith.constant 2 : i32
        %swap3A_571 = arith.index_cast %swap3A_570 : i32 to index
        %swap3A_572 = arith.index_cast %add3A_512 : i32 to index
        %swap3A_573 = arith.constant 48 : index
        %swap3A_574 = tpu.vector_load %arg6[%swap3A_571, %swap3A_572, %swap3A_573] {strides = array<i32>} : memref<4x200x64xf32, #tpu.memory_space<vmem>>, vector<1x1x16xf32>,
        %swap3A_575 = vector.shape_cast %swap3A_574 : vector<1x1x16xf32> to vector<16xf32>
        %swap3A_576 = vector.shape_cast %mul3A_569 : vector<16xf32> to vector<1x1x16xf32>
        tpu.vector_store %arg6[%swap3A_571, %swap3A_572, %swap3A_573], %swap3A_576 {strides = array<i32>} : memref<4x200x64xf32, #tpu.memory_space<vmem>>, vector<1x1x16xf32>,
      }
      %scan3A_236 = arith.constant 50 : i32
      %add3A_237 = arith.addi %mul3A_2, %add3A_219 : i32
      %dma_start3A_238 = arith.constant 2 : i32
      %dma_start3A_239 = arith.constant 0 : i32
      %dma_start3A_240 = arith.constant 0 : i32
      %dma_start3A_241 = tpu.memref_slice %arg6[%dma_start3A_238, %dma_start3A_239, %dma_start3A_240] : memref<4x200x64xf32, #tpu.memory_space<vmem>> -> memref<1x200x64xf32, #tpu.memory_space<vmem>>
      %dma_start3A_242 = tpu.memref_squeeze %dma_start3A_241 : memref<1x200x64xf32, #tpu.memory_space<vmem>> -> memref<200x64xf32, #tpu.memory_space<vmem>>
      %dma_start3A_243 = arith.constant 0 : i32
      %dma_start3A_244 = arith.constant 0 : i32
      %dma_start3A_245 = tpu.memref_slice %arg4[%add3A_237, %dma_start3A_243, %dma_start3A_244] : memref<4096x200x64xf32, #tpu.memory_space<hbm>> -> memref<1x200x64xf32, #tpu.memory_space<hbm>>
      %dma_start3A_246 = tpu.memref_squeeze %dma_start3A_245 : memref<1x200x64xf32, #tpu.memory_space<hbm>> -> memref<200x64xf32, #tpu.memory_space<hbm>>
      %dma_start3A_247 = arith.constant 0 : i32
      %dma_start3A_248 = arith.constant 0 : i32
      %dma_start3A_249 = tpu.memref_slice %arg4[%add3A_237, %dma_start3A_247, %dma_start3A_248] : memref<4096x200x64xf32, #tpu.memory_space<hbm>> -> memref<1x200x64xf32, #tpu.memory_space<hbm>>
      %dma_start3A_250 = tpu.memref_squeeze %dma_start3A_249 : memref<1x200x64xf32, #tpu.memory_space<hbm>> -> memref<200x64xf32, #tpu.memory_space<hbm>>
      %dma_start3A_251 = arith.constant 0 : i32
      %dma_start3A_252 = arith.constant 0 : i32
      %dma_start3A_253 = tpu.memref_slice %arg6[%dma_start3A_238, %dma_start3A_251, %dma_start3A_252] : memref<4x200x64xf32, #tpu.memory_space<vmem>> -> memref<1x200x64xf32, #tpu.memory_space<vmem>>
      %dma_start3A_254 = tpu.memref_squeeze %dma_start3A_253 : memref<1x200x64xf32, #tpu.memory_space<vmem>> -> memref<200x64xf32, #tpu.memory_space<vmem>>
      tpu.enqueue_dma source(%dma_start3A_254 : memref<200x64xf32, #tpu.memory_space<vmem>>) target(%dma_start3A_250 : memref<200x64xf32, #tpu.memory_space<hbm>>) target_semaphore(%arg13 : memref<!tpu.dma_semaphore, #tpu.memory_space<semaphore_mem>>)
      %add3A_255 = arith.constant 4 : i32
      %add3A_256 = arith.addi %add3A_219, %add3A_255 : i32
      %lt3A_257 = arith.constant 128 : i32
      %lt3A_258 = arith.cmpi slt, %add3A_256, %lt3A_257 : i32
      %convert_element_type3A_259 = arith.extui %lt3A_258 : i1 to i32
      %cond3A_260 = arith.constant 0 : i32
      %cond3A_261 = arith.cmpi ne, %convert_element_type3A_259, %cond3A_260 : i32
      scf.if %cond3A_261 {
        %add3A_306 = arith.addi %mul3A_2, %add3A_219 : i32
        %dma_wait3A_307 = arith.constant 2 : i32
        %dma_wait3A_308 = arith.constant 0 : i32
        %dma_wait3A_309 = arith.constant 0 : i32
        %dma_wait3A_310 = tpu.memref_slice %arg6[%dma_wait3A_307, %dma_wait3A_308, %dma_wait3A_309] : memref<4x200x64xf32, #tpu.memory_space<vmem>> -> memref<1x200x64xf32, #tpu.memory_space<vmem>>
        %dma_wait3A_311 = tpu.memref_squeeze %dma_wait3A_310 : memref<1x200x64xf32, #tpu.memory_space<vmem>> -> memref<200x64xf32, #tpu.memory_space<vmem>>
        %dma_wait3A_312 = arith.constant 0 : i32
        %dma_wait3A_313 = arith.constant 0 : i32
        %dma_wait3A_314 = tpu.memref_slice %arg4[%add3A_306, %dma_wait3A_312, %dma_wait3A_313] : memref<4096x200x64xf32, #tpu.memory_space<hbm>> -> memref<1x200x64xf32, #tpu.memory_space<hbm>>
        %dma_wait3A_315 = tpu.memref_squeeze %dma_wait3A_314 : memref<1x200x64xf32, #tpu.memory_space<hbm>> -> memref<200x64xf32, #tpu.memory_space<hbm>>
        %dma_wait3A_316 = arith.constant 0 : i32
        %dma_wait3A_317 = arith.constant 0 : i32
        %dma_wait3A_318 = tpu.memref_slice %arg4[%add3A_306, %dma_wait3A_316, %dma_wait3A_317] : memref<4096x200x64xf32, #tpu.memory_space<hbm>> -> memref<1x200x64xf32, #tpu.memory_space<hbm>>
        %dma_wait3A_319 = tpu.memref_squeeze %dma_wait3A_318 : memref<1x200x64xf32, #tpu.memory_space<hbm>> -> memref<200x64xf32, #tpu.memory_space<hbm>>
        %dma_wait3A_320 = arith.constant 0 : i32
        %dma_wait3A_321 = arith.constant 0 : i32
        %dma_wait3A_322 = tpu.memref_slice %arg6[%dma_wait3A_307, %dma_wait3A_320, %dma_wait3A_321] : memref<4x200x64xf32, #tpu.memory_space<vmem>> -> memref<1x200x64xf32, #tpu.memory_space<vmem>>
        %dma_wait3A_323 = tpu.memref_squeeze %dma_wait3A_322 : memref<1x200x64xf32, #tpu.memory_space<vmem>> -> memref<200x64xf32, #tpu.memory_space<vmem>>
        tpu.wait_dma2 semaphore(%arg13 : memref<!tpu.dma_semaphore, #tpu.memory_space<semaphore_mem>>) src(%dma_wait3A_323 : memref<200x64xf32, #tpu.memory_space<vmem>>) dst(%dma_wait3A_319 : memref<200x64xf32, #tpu.memory_space<hbm>>)
        %add3A_324 = arith.constant 4 : i32
        %add3A_325 = arith.addi %add3A_219, %add3A_324 : i32
        %dma_start3A_326 = arith.constant 2 : i32
        %dma_start3A_327 = arith.constant 0 : i32
        %dma_start3A_328 = arith.constant 0 : i32
        %dma_start3A_329 = tpu.memref_slice %arg6[%dma_start3A_326, %dma_start3A_327, %dma_start3A_328] : memref<4x200x64xf32, #tpu.memory_space<vmem>> -> memref<1x200x64xf32, #tpu.memory_space<vmem>>
        %dma_start3A_330 = tpu.memref_squeeze %dma_start3A_329 : memref<1x200x64xf32, #tpu.memory_space<vmem>> -> memref<200x64xf32, #tpu.memory_space<vmem>>
        %dma_start3A_331 = arith.constant 0 : i32
        %dma_start3A_332 = tpu.memref_slice %arg5[%add3A_325, %dma_start3A_331] : memref<128x200xi32, #tpu.memory_space<vmem>> -> memref<1x200xi32, #tpu.memory_space<vmem>>
        %dma_start3A_333 = tpu.memref_squeeze %dma_start3A_332 : memref<1x200xi32, #tpu.memory_space<vmem>> -> memref<200xi32, #tpu.memory_space<vmem>>
        %dma_start3A_334 = arith.constant 0 : i32
        %dma_start3A_335 = arith.constant 0 : i32
        %dma_start3A_336 = tpu.memref_slice %arg3[%dma_start3A_334, %dma_start3A_335] : memref<1000000x64xf32, #tpu.memory_space<hbm>> -> memref<1000000x64xf32, #tpu.memory_space<hbm>>
        tpu.enqueue_indirect_dma source(%dma_start3A_336 : memref<1000000x64xf32, #tpu.memory_space<hbm>>) target(%dma_start3A_330 : memref<200x64xf32, #tpu.memory_space<vmem>>) offsets(%dma_start3A_333 : memref<200xi32, #tpu.memory_space<vmem>>) semaphore(%arg9 : memref<!tpu.dma_semaphore, #tpu.memory_space<semaphore_mem>>)
      } else {
      }
      %add3A_262 = arith.constant 3 : i32
      %add3A_263 = arith.addi %mul3A_132, %add3A_262 : i32
      %dma_wait3A_264 = arith.constant 3 : i32
      %dma_wait3A_265 = arith.constant 0 : i32
      %dma_wait3A_266 = arith.constant 0 : i32
      %dma_wait3A_267 = tpu.memref_slice %arg6[%dma_wait3A_264, %dma_wait3A_265, %dma_wait3A_266] : memref<4x200x64xf32, #tpu.memory_space<vmem>> -> memref<1x200x64xf32, #tpu.memory_space<vmem>>
      %dma_wait3A_268 = tpu.memref_squeeze %dma_wait3A_267 : memref<1x200x64xf32, #tpu.memory_space<vmem>> -> memref<200x64xf32, #tpu.memory_space<vmem>>
      %dma_wait3A_269 = arith.constant 0 : i32
      %dma_wait3A_270 = tpu.memref_slice %arg5[%add3A_263, %dma_wait3A_269] : memref<128x200xi32, #tpu.memory_space<vmem>> -> memref<1x200xi32, #tpu.memory_space<vmem>>
      %dma_wait3A_271 = tpu.memref_squeeze %dma_wait3A_270 : memref<1x200xi32, #tpu.memory_space<vmem>> -> memref<200xi32, #tpu.memory_space<vmem>>
      %dma_wait3A_272 = arith.constant 0 : i32
      %dma_wait3A_273 = arith.constant 0 : i32
      %dma_wait3A_274 = tpu.memref_slice %arg3[%dma_wait3A_272, %dma_wait3A_273] : memref<1000000x64xf32, #tpu.memory_space<hbm>> -> memref<1000000x64xf32, #tpu.memory_space<hbm>>
      tpu.wait_indirect_dma semaphore(%arg10 : memref<!tpu.dma_semaphore, #tpu.memory_space<semaphore_mem>>) src(%dma_wait3A_274 : memref<1000000x64xf32, #tpu.memory_space<hbm>>) dst(%dma_wait3A_268 : memref<200x64xf32, #tpu.memory_space<vmem>>)
      %scan3A_275 = arith.constant 0 : i32
      %scan3A_276 = arith.constant 0 : i32
      %scan3A_277 = arith.constant 50 : i32
      %scan3A_278 = arith.addi %scan3A_276, %scan3A_277 : i32
      %scan3A_279 = arith.constant 1 : i32
      scf.for %scan3A_306 = %scan3A_276 to %scan3A_278 step %scan3A_279  : i32 {
        %mul3A_307 = arith.constant 4 : i32
        %mul3A_308 = arith.muli %scan3A_306, %mul3A_307 : i32
        %add3A_309 = arith.constant 0 : i32
        %add3A_310 = arith.addi %mul3A_308, %add3A_309 : i32
        %get3A = arith.constant 3 : i32
        %get3A_311 = arith.index_cast %get3A : i32 to index
        %get3A_312 = arith.index_cast %add3A_310 : i32 to index
        %get3A_313 = arith.constant 0 : index
        %get3A_314 = tpu.vector_load %arg6[%get3A_311, %get3A_312, %get3A_313] {strides = array<i32>} : memref<4x200x64xf32, #tpu.memory_space<vmem>>, vector<1x1x16xf32>,
        %get3A_315 = vector.shape_cast %get3A_314 : vector<1x1x16xf32> to vector<16xf32>
        %mul3A_316 = arith.constant 8.000000e+00 : f32
        %mul3A_317 = vector.broadcast %mul3A_316 : f32 to vector<16xf32>
        %mul3A_318 = arith.mulf %get3A_315, %mul3A_317 : vector<16xf32>
        %swap3A = arith.constant 3 : i32
        %swap3A_319 = arith.index_cast %swap3A : i32 to index
        %swap3A_320 = arith.index_cast %add3A_310 : i32 to index
        %swap3A_321 = arith.constant 0 : index
        %swap3A_322 = tpu.vector_load %arg6[%swap3A_319, %swap3A_320, %swap3A_321] {strides = array<i32>} : memref<4x200x64xf32, #tpu.memory_space<vmem>>, vector<1x1x16xf32>,
        %swap3A_323 = vector.shape_cast %swap3A_322 : vector<1x1x16xf32> to vector<16xf32>
        %swap3A_324 = vector.shape_cast %mul3A_318 : vector<16xf32> to vector<1x1x16xf32>
        tpu.vector_store %arg6[%swap3A_319, %swap3A_320, %swap3A_321], %swap3A_324 {strides = array<i32>} : memref<4x200x64xf32, #tpu.memory_space<vmem>>, vector<1x1x16xf32>,
        %get3A_325 = arith.constant 3 : i32
        %get3A_326 = arith.index_cast %get3A_325 : i32 to index
        %get3A_327 = arith.index_cast %add3A_310 : i32 to index
        %get3A_328 = arith.constant 16 : index
        %get3A_329 = tpu.vector_load %arg6[%get3A_326, %get3A_327, %get3A_328] {strides = array<i32>} : memref<4x200x64xf32, #tpu.memory_space<vmem>>, vector<1x1x16xf32>,
        %get3A_330 = vector.shape_cast %get3A_329 : vector<1x1x16xf32> to vector<16xf32>
        %mul3A_331 = arith.constant 8.000000e+00 : f32
        %mul3A_332 = vector.broadcast %mul3A_331 : f32 to vector<16xf32>
        %mul3A_333 = arith.mulf %get3A_330, %mul3A_332 : vector<16xf32>
        %swap3A_334 = arith.constant 3 : i32
        %swap3A_335 = arith.index_cast %swap3A_334 : i32 to index
        %swap3A_336 = arith.index_cast %add3A_310 : i32 to index
        %swap3A_337 = arith.constant 16 : index
        %swap3A_338 = tpu.vector_load %arg6[%swap3A_335, %swap3A_336, %swap3A_337] {strides = array<i32>} : memref<4x200x64xf32, #tpu.memory_space<vmem>>, vector<1x1x16xf32>,
        %swap3A_339 = vector.shape_cast %swap3A_338 : vector<1x1x16xf32> to vector<16xf32>
        %swap3A_340 = vector.shape_cast %mul3A_333 : vector<16xf32> to vector<1x1x16xf32>
        tpu.vector_store %arg6[%swap3A_335, %swap3A_336, %swap3A_337], %swap3A_340 {strides = array<i32>} : memref<4x200x64xf32, #tpu.memory_space<vmem>>, vector<1x1x16xf32>,
        %get3A_341 = arith.constant 3 : i32
        %get3A_342 = arith.index_cast %get3A_341 : i32 to index
        %get3A_343 = arith.index_cast %add3A_310 : i32 to index
        %get3A_344 = arith.constant 32 : index
        %get3A_345 = tpu.vector_load %arg6[%get3A_342, %get3A_343, %get3A_344] {strides = array<i32>} : memref<4x200x64xf32, #tpu.memory_space<vmem>>, vector<1x1x16xf32>,
        %get3A_346 = vector.shape_cast %get3A_345 : vector<1x1x16xf32> to vector<16xf32>
        %mul3A_347 = arith.constant 8.000000e+00 : f32
        %mul3A_348 = vector.broadcast %mul3A_347 : f32 to vector<16xf32>
        %mul3A_349 = arith.mulf %get3A_346, %mul3A_348 : vector<16xf32>
        %swap3A_350 = arith.constant 3 : i32
        %swap3A_351 = arith.index_cast %swap3A_350 : i32 to index
        %swap3A_352 = arith.index_cast %add3A_310 : i32 to index
        %swap3A_353 = arith.constant 32 : index
        %swap3A_354 = tpu.vector_load %arg6[%swap3A_351, %swap3A_352, %swap3A_353] {strides = array<i32>} : memref<4x200x64xf32, #tpu.memory_space<vmem>>, vector<1x1x16xf32>,
        %swap3A_355 = vector.shape_cast %swap3A_354 : vector<1x1x16xf32> to vector<16xf32>
        %swap3A_356 = vector.shape_cast %mul3A_349 : vector<16xf32> to vector<1x1x16xf32>
        tpu.vector_store %arg6[%swap3A_351, %swap3A_352, %swap3A_353], %swap3A_356 {strides = array<i32>} : memref<4x200x64xf32, #tpu.memory_space<vmem>>, vector<1x1x16xf32>,
        %get3A_357 = arith.constant 3 : i32
        %get3A_358 = arith.index_cast %get3A_357 : i32 to index
        %get3A_359 = arith.index_cast %add3A_310 : i32 to index
        %get3A_360 = arith.constant 48 : index
        %get3A_361 = tpu.vector_load %arg6[%get3A_358, %get3A_359, %get3A_360] {strides = array<i32>} : memref<4x200x64xf32, #tpu.memory_space<vmem>>, vector<1x1x16xf32>,
        %get3A_362 = vector.shape_cast %get3A_361 : vector<1x1x16xf32> to vector<16xf32>
        %mul3A_363 = arith.constant 8.000000e+00 : f32
        %mul3A_364 = vector.broadcast %mul3A_363 : f32 to vector<16xf32>
        %mul3A_365 = arith.mulf %get3A_362, %mul3A_364 : vector<16xf32>
        %swap3A_366 = arith.constant 3 : i32
        %swap3A_367 = arith.index_cast %swap3A_366 : i32 to index
        %swap3A_368 = arith.index_cast %add3A_310 : i32 to index
        %swap3A_369 = arith.constant 48 : index
        %swap3A_370 = tpu.vector_load %arg6[%swap3A_367, %swap3A_368, %swap3A_369] {strides = array<i32>} : memref<4x200x64xf32, #tpu.memory_space<vmem>>, vector<1x1x16xf32>,
        %swap3A_371 = vector.shape_cast %swap3A_370 : vector<1x1x16xf32> to vector<16xf32>
        %swap3A_372 = vector.shape_cast %mul3A_365 : vector<16xf32> to vector<1x1x16xf32>
        tpu.vector_store %arg6[%swap3A_367, %swap3A_368, %swap3A_369], %swap3A_372 {strides = array<i32>} : memref<4x200x64xf32, #tpu.memory_space<vmem>>, vector<1x1x16xf32>,
        %mul3A_373 = arith.constant 4 : i32
        %mul3A_374 = arith.muli %scan3A_306, %mul3A_373 : i32
        %add3A_375 = arith.constant 1 : i32
        %add3A_376 = arith.addi %mul3A_374, %add3A_375 : i32
        %get3A_377 = arith.constant 3 : i32
        %get3A_378 = arith.index_cast %get3A_377 : i32 to index
        %get3A_379 = arith.index_cast %add3A_376 : i32 to index
        %get3A_380 = arith.constant 0 : index
        %get3A_381 = tpu.vector_load %arg6[%get3A_378, %get3A_379, %get3A_380] {strides = array<i32>} : memref<4x200x64xf32, #tpu.memory_space<vmem>>, vector<1x1x16xf32>,
        %get3A_382 = vector.shape_cast %get3A_381 : vector<1x1x16xf32> to vector<16xf32>
        %mul3A_383 = arith.constant 8.000000e+00 : f32
        %mul3A_384 = vector.broadcast %mul3A_383 : f32 to vector<16xf32>
        %mul3A_385 = arith.mulf %get3A_382, %mul3A_384 : vector<16xf32>
        %swap3A_386 = arith.constant 3 : i32
        %swap3A_387 = arith.index_cast %swap3A_386 : i32 to index
        %swap3A_388 = arith.index_cast %add3A_376 : i32 to index
        %swap3A_389 = arith.constant 0 : index
        %swap3A_390 = tpu.vector_load %arg6[%swap3A_387, %swap3A_388, %swap3A_389] {strides = array<i32>} : memref<4x200x64xf32, #tpu.memory_space<vmem>>, vector<1x1x16xf32>,
        %swap3A_391 = vector.shape_cast %swap3A_390 : vector<1x1x16xf32> to vector<16xf32>
        %swap3A_392 = vector.shape_cast %mul3A_385 : vector<16xf32> to vector<1x1x16xf32>
        tpu.vector_store %arg6[%swap3A_387, %swap3A_388, %swap3A_389], %swap3A_392 {strides = array<i32>} : memref<4x200x64xf32, #tpu.memory_space<vmem>>, vector<1x1x16xf32>,
        %get3A_393 = arith.constant 3 : i32
        %get3A_394 = arith.index_cast %get3A_393 : i32 to index
        %get3A_395 = arith.index_cast %add3A_376 : i32 to index
        %get3A_396 = arith.constant 16 : index
        %get3A_397 = tpu.vector_load %arg6[%get3A_394, %get3A_395, %get3A_396] {strides = array<i32>} : memref<4x200x64xf32, #tpu.memory_space<vmem>>, vector<1x1x16xf32>,
        %get3A_398 = vector.shape_cast %get3A_397 : vector<1x1x16xf32> to vector<16xf32>
        %mul3A_399 = arith.constant 8.000000e+00 : f32
        %mul3A_400 = vector.broadcast %mul3A_399 : f32 to vector<16xf32>
        %mul3A_401 = arith.mulf %get3A_398, %mul3A_400 : vector<16xf32>
        %swap3A_402 = arith.constant 3 : i32
        %swap3A_403 = arith.index_cast %swap3A_402 : i32 to index
        %swap3A_404 = arith.index_cast %add3A_376 : i32 to index
        %swap3A_405 = arith.constant 16 : index
        %swap3A_406 = tpu.vector_load %arg6[%swap3A_403, %swap3A_404, %swap3A_405] {strides = array<i32>} : memref<4x200x64xf32, #tpu.memory_space<vmem>>, vector<1x1x16xf32>,
        %swap3A_407 = vector.shape_cast %swap3A_406 : vector<1x1x16xf32> to vector<16xf32>
        %swap3A_408 = vector.shape_cast %mul3A_401 : vector<16xf32> to vector<1x1x16xf32>
        tpu.vector_store %arg6[%swap3A_403, %swap3A_404, %swap3A_405], %swap3A_408 {strides = array<i32>} : memref<4x200x64xf32, #tpu.memory_space<vmem>>, vector<1x1x16xf32>,
        %get3A_409 = arith.constant 3 : i32
        %get3A_410 = arith.index_cast %get3A_409 : i32 to index
        %get3A_411 = arith.index_cast %add3A_376 : i32 to index
        %get3A_412 = arith.constant 32 : index
        %get3A_413 = tpu.vector_load %arg6[%get3A_410, %get3A_411, %get3A_412] {strides = array<i32>} : memref<4x200x64xf32, #tpu.memory_space<vmem>>, vector<1x1x16xf32>,
        %get3A_414 = vector.shape_cast %get3A_413 : vector<1x1x16xf32> to vector<16xf32>
        %mul3A_415 = arith.constant 8.000000e+00 : f32
        %mul3A_416 = vector.broadcast %mul3A_415 : f32 to vector<16xf32>
        %mul3A_417 = arith.mulf %get3A_414, %mul3A_416 : vector<16xf32>
        %swap3A_418 = arith.constant 3 : i32
        %swap3A_419 = arith.index_cast %swap3A_418 : i32 to index
        %swap3A_420 = arith.index_cast %add3A_376 : i32 to index
        %swap3A_421 = arith.constant 32 : index
        %swap3A_422 = tpu.vector_load %arg6[%swap3A_419, %swap3A_420, %swap3A_421] {strides = array<i32>} : memref<4x200x64xf32, #tpu.memory_space<vmem>>, vector<1x1x16xf32>,
        %swap3A_423 = vector.shape_cast %swap3A_422 : vector<1x1x16xf32> to vector<16xf32>
        %swap3A_424 = vector.shape_cast %mul3A_417 : vector<16xf32> to vector<1x1x16xf32>
        tpu.vector_store %arg6[%swap3A_419, %swap3A_420, %swap3A_421], %swap3A_424 {strides = array<i32>} : memref<4x200x64xf32, #tpu.memory_space<vmem>>, vector<1x1x16xf32>,
        %get3A_425 = arith.constant 3 : i32
        %get3A_426 = arith.index_cast %get3A_425 : i32 to index
        %get3A_427 = arith.index_cast %add3A_376 : i32 to index
        %get3A_428 = arith.constant 48 : index
        %get3A_429 = tpu.vector_load %arg6[%get3A_426, %get3A_427, %get3A_428] {strides = array<i32>} : memref<4x200x64xf32, #tpu.memory_space<vmem>>, vector<1x1x16xf32>,
        %get3A_430 = vector.shape_cast %get3A_429 : vector<1x1x16xf32> to vector<16xf32>
        %mul3A_431 = arith.constant 8.000000e+00 : f32
        %mul3A_432 = vector.broadcast %mul3A_431 : f32 to vector<16xf32>
        %mul3A_433 = arith.mulf %get3A_430, %mul3A_432 : vector<16xf32>
        %swap3A_434 = arith.constant 3 : i32
        %swap3A_435 = arith.index_cast %swap3A_434 : i32 to index
        %swap3A_436 = arith.index_cast %add3A_376 : i32 to index
        %swap3A_437 = arith.constant 48 : index
        %swap3A_438 = tpu.vector_load %arg6[%swap3A_435, %swap3A_436, %swap3A_437] {strides = array<i32>} : memref<4x200x64xf32, #tpu.memory_space<vmem>>, vector<1x1x16xf32>,
        %swap3A_439 = vector.shape_cast %swap3A_438 : vector<1x1x16xf32> to vector<16xf32>
        %swap3A_440 = vector.shape_cast %mul3A_433 : vector<16xf32> to vector<1x1x16xf32>
        tpu.vector_store %arg6[%swap3A_435, %swap3A_436, %swap3A_437], %swap3A_440 {strides = array<i32>} : memref<4x200x64xf32, #tpu.memory_space<vmem>>, vector<1x1x16xf32>,
        %mul3A_441 = arith.constant 4 : i32
        %mul3A_442 = arith.muli %scan3A_306, %mul3A_441 : i32
        %add3A_443 = arith.constant 2 : i32
        %add3A_444 = arith.addi %mul3A_442, %add3A_443 : i32
        %get3A_445 = arith.constant 3 : i32
        %get3A_446 = arith.index_cast %get3A_445 : i32 to index
        %get3A_447 = arith.index_cast %add3A_444 : i32 to index
        %get3A_448 = arith.constant 0 : index
        %get3A_449 = tpu.vector_load %arg6[%get3A_446, %get3A_447, %get3A_448] {strides = array<i32>} : memref<4x200x64xf32, #tpu.memory_space<vmem>>, vector<1x1x16xf32>,
        %get3A_450 = vector.shape_cast %get3A_449 : vector<1x1x16xf32> to vector<16xf32>
        %mul3A_451 = arith.constant 8.000000e+00 : f32
        %mul3A_452 = vector.broadcast %mul3A_451 : f32 to vector<16xf32>
        %mul3A_453 = arith.mulf %get3A_450, %mul3A_452 : vector<16xf32>
        %swap3A_454 = arith.constant 3 : i32
        %swap3A_455 = arith.index_cast %swap3A_454 : i32 to index
        %swap3A_456 = arith.index_cast %add3A_444 : i32 to index
        %swap3A_457 = arith.constant 0 : index
        %swap3A_458 = tpu.vector_load %arg6[%swap3A_455, %swap3A_456, %swap3A_457] {strides = array<i32>} : memref<4x200x64xf32, #tpu.memory_space<vmem>>, vector<1x1x16xf32>,
        %swap3A_459 = vector.shape_cast %swap3A_458 : vector<1x1x16xf32> to vector<16xf32>
        %swap3A_460 = vector.shape_cast %mul3A_453 : vector<16xf32> to vector<1x1x16xf32>
        tpu.vector_store %arg6[%swap3A_455, %swap3A_456, %swap3A_457], %swap3A_460 {strides = array<i32>} : memref<4x200x64xf32, #tpu.memory_space<vmem>>, vector<1x1x16xf32>,
        %get3A_461 = arith.constant 3 : i32
        %get3A_462 = arith.index_cast %get3A_461 : i32 to index
        %get3A_463 = arith.index_cast %add3A_444 : i32 to index
        %get3A_464 = arith.constant 16 : index
        %get3A_465 = tpu.vector_load %arg6[%get3A_462, %get3A_463, %get3A_464] {strides = array<i32>} : memref<4x200x64xf32, #tpu.memory_space<vmem>>, vector<1x1x16xf32>,
        %get3A_466 = vector.shape_cast %get3A_465 : vector<1x1x16xf32> to vector<16xf32>
        %mul3A_467 = arith.constant 8.000000e+00 : f32
        %mul3A_468 = vector.broadcast %mul3A_467 : f32 to vector<16xf32>
        %mul3A_469 = arith.mulf %get3A_466, %mul3A_468 : vector<16xf32>
        %swap3A_470 = arith.constant 3 : i32
        %swap3A_471 = arith.index_cast %swap3A_470 : i32 to index
        %swap3A_472 = arith.index_cast %add3A_444 : i32 to index
        %swap3A_473 = arith.constant 16 : index
        %swap3A_474 = tpu.vector_load %arg6[%swap3A_471, %swap3A_472, %swap3A_473] {strides = array<i32>} : memref<4x200x64xf32, #tpu.memory_space<vmem>>, vector<1x1x16xf32>,
        %swap3A_475 = vector.shape_cast %swap3A_474 : vector<1x1x16xf32> to vector<16xf32>
        %swap3A_476 = vector.shape_cast %mul3A_469 : vector<16xf32> to vector<1x1x16xf32>
        tpu.vector_store %arg6[%swap3A_471, %swap3A_472, %swap3A_473], %swap3A_476 {strides = array<i32>} : memref<4x200x64xf32, #tpu.memory_space<vmem>>, vector<1x1x16xf32>,
        %get3A_477 = arith.constant 3 : i32
        %get3A_478 = arith.index_cast %get3A_477 : i32 to index
        %get3A_479 = arith.index_cast %add3A_444 : i32 to index
        %get3A_480 = arith.constant 32 : index
        %get3A_481 = tpu.vector_load %arg6[%get3A_478, %get3A_479, %get3A_480] {strides = array<i32>} : memref<4x200x64xf32, #tpu.memory_space<vmem>>, vector<1x1x16xf32>,
        %get3A_482 = vector.shape_cast %get3A_481 : vector<1x1x16xf32> to vector<16xf32>
        %mul3A_483 = arith.constant 8.000000e+00 : f32
        %mul3A_484 = vector.broadcast %mul3A_483 : f32 to vector<16xf32>
        %mul3A_485 = arith.mulf %get3A_482, %mul3A_484 : vector<16xf32>
        %swap3A_486 = arith.constant 3 : i32
        %swap3A_487 = arith.index_cast %swap3A_486 : i32 to index
        %swap3A_488 = arith.index_cast %add3A_444 : i32 to index
        %swap3A_489 = arith.constant 32 : index
        %swap3A_490 = tpu.vector_load %arg6[%swap3A_487, %swap3A_488, %swap3A_489] {strides = array<i32>} : memref<4x200x64xf32, #tpu.memory_space<vmem>>, vector<1x1x16xf32>,
        %swap3A_491 = vector.shape_cast %swap3A_490 : vector<1x1x16xf32> to vector<16xf32>
        %swap3A_492 = vector.shape_cast %mul3A_485 : vector<16xf32> to vector<1x1x16xf32>
        tpu.vector_store %arg6[%swap3A_487, %swap3A_488, %swap3A_489], %swap3A_492 {strides = array<i32>} : memref<4x200x64xf32, #tpu.memory_space<vmem>>, vector<1x1x16xf32>,
        %get3A_493 = arith.constant 3 : i32
        %get3A_494 = arith.index_cast %get3A_493 : i32 to index
        %get3A_495 = arith.index_cast %add3A_444 : i32 to index
        %get3A_496 = arith.constant 48 : index
        %get3A_497 = tpu.vector_load %arg6[%get3A_494, %get3A_495, %get3A_496] {strides = array<i32>} : memref<4x200x64xf32, #tpu.memory_space<vmem>>, vector<1x1x16xf32>,
        %get3A_498 = vector.shape_cast %get3A_497 : vector<1x1x16xf32> to vector<16xf32>
        %mul3A_499 = arith.constant 8.000000e+00 : f32
        %mul3A_500 = vector.broadcast %mul3A_499 : f32 to vector<16xf32>
        %mul3A_501 = arith.mulf %get3A_498, %mul3A_500 : vector<16xf32>
        %swap3A_502 = arith.constant 3 : i32
        %swap3A_503 = arith.index_cast %swap3A_502 : i32 to index
        %swap3A_504 = arith.index_cast %add3A_444 : i32 to index
        %swap3A_505 = arith.constant 48 : index
        %swap3A_506 = tpu.vector_load %arg6[%swap3A_503, %swap3A_504, %swap3A_505] {strides = array<i32>} : memref<4x200x64xf32, #tpu.memory_space<vmem>>, vector<1x1x16xf32>,
        %swap3A_507 = vector.shape_cast %swap3A_506 : vector<1x1x16xf32> to vector<16xf32>
        %swap3A_508 = vector.shape_cast %mul3A_501 : vector<16xf32> to vector<1x1x16xf32>
        tpu.vector_store %arg6[%swap3A_503, %swap3A_504, %swap3A_505], %swap3A_508 {strides = array<i32>} : memref<4x200x64xf32, #tpu.memory_space<vmem>>, vector<1x1x16xf32>,
        %mul3A_509 = arith.constant 4 : i32
        %mul3A_510 = arith.muli %scan3A_306, %mul3A_509 : i32
        %add3A_511 = arith.constant 3 : i32
        %add3A_512 = arith.addi %mul3A_510, %add3A_511 : i32
        %get3A_513 = arith.constant 3 : i32
        %get3A_514 = arith.index_cast %get3A_513 : i32 to index
        %get3A_515 = arith.index_cast %add3A_512 : i32 to index
        %get3A_516 = arith.constant 0 : index
        %get3A_517 = tpu.vector_load %arg6[%get3A_514, %get3A_515, %get3A_516] {strides = array<i32>} : memref<4x200x64xf32, #tpu.memory_space<vmem>>, vector<1x1x16xf32>,
        %get3A_518 = vector.shape_cast %get3A_517 : vector<1x1x16xf32> to vector<16xf32>
        %mul3A_519 = arith.constant 8.000000e+00 : f32
        %mul3A_520 = vector.broadcast %mul3A_519 : f32 to vector<16xf32>
        %mul3A_521 = arith.mulf %get3A_518, %mul3A_520 : vector<16xf32>
        %swap3A_522 = arith.constant 3 : i32
        %swap3A_523 = arith.index_cast %swap3A_522 : i32 to index
        %swap3A_524 = arith.index_cast %add3A_512 : i32 to index
        %swap3A_525 = arith.constant 0 : index
        %swap3A_526 = tpu.vector_load %arg6[%swap3A_523, %swap3A_524, %swap3A_525] {strides = array<i32>} : memref<4x200x64xf32, #tpu.memory_space<vmem>>, vector<1x1x16xf32>,
        %swap3A_527 = vector.shape_cast %swap3A_526 : vector<1x1x16xf32> to vector<16xf32>
        %swap3A_528 = vector.shape_cast %mul3A_521 : vector<16xf32> to vector<1x1x16xf32>
        tpu.vector_store %arg6[%swap3A_523, %swap3A_524, %swap3A_525], %swap3A_528 {strides = array<i32>} : memref<4x200x64xf32, #tpu.memory_space<vmem>>, vector<1x1x16xf32>,
        %get3A_529 = arith.constant 3 : i32
        %get3A_530 = arith.index_cast %get3A_529 : i32 to index
        %get3A_531 = arith.index_cast %add3A_512 : i32 to index
        %get3A_532 = arith.constant 16 : index
        %get3A_533 = tpu.vector_load %arg6[%get3A_530, %get3A_531, %get3A_532] {strides = array<i32>} : memref<4x200x64xf32, #tpu.memory_space<vmem>>, vector<1x1x16xf32>,
        %get3A_534 = vector.shape_cast %get3A_533 : vector<1x1x16xf32> to vector<16xf32>
        %mul3A_535 = arith.constant 8.000000e+00 : f32
        %mul3A_536 = vector.broadcast %mul3A_535 : f32 to vector<16xf32>
        %mul3A_537 = arith.mulf %get3A_534, %mul3A_536 : vector<16xf32>
        %swap3A_538 = arith.constant 3 : i32
        %swap3A_539 = arith.index_cast %swap3A_538 : i32 to index
        %swap3A_540 = arith.index_cast %add3A_512 : i32 to index
        %swap3A_541 = arith.constant 16 : index
        %swap3A_542 = tpu.vector_load %arg6[%swap3A_539, %swap3A_540, %swap3A_541] {strides = array<i32>} : memref<4x200x64xf32, #tpu.memory_space<vmem>>, vector<1x1x16xf32>,
        %swap3A_543 = vector.shape_cast %swap3A_542 : vector<1x1x16xf32> to vector<16xf32>
        %swap3A_544 = vector.shape_cast %mul3A_537 : vector<16xf32> to vector<1x1x16xf32>
        tpu.vector_store %arg6[%swap3A_539, %swap3A_540, %swap3A_541], %swap3A_544 {strides = array<i32>} : memref<4x200x64xf32, #tpu.memory_space<vmem>>, vector<1x1x16xf32>,
        %get3A_545 = arith.constant 3 : i32
        %get3A_546 = arith.index_cast %get3A_545 : i32 to index
        %get3A_547 = arith.index_cast %add3A_512 : i32 to index
        %get3A_548 = arith.constant 32 : index
        %get3A_549 = tpu.vector_load %arg6[%get3A_546, %get3A_547, %get3A_548] {strides = array<i32>} : memref<4x200x64xf32, #tpu.memory_space<vmem>>, vector<1x1x16xf32>,
        %get3A_550 = vector.shape_cast %get3A_549 : vector<1x1x16xf32> to vector<16xf32>
        %mul3A_551 = arith.constant 8.000000e+00 : f32
        %mul3A_552 = vector.broadcast %mul3A_551 : f32 to vector<16xf32>
        %mul3A_553 = arith.mulf %get3A_550, %mul3A_552 : vector<16xf32>
        %swap3A_554 = arith.constant 3 : i32
        %swap3A_555 = arith.index_cast %swap3A_554 : i32 to index
        %swap3A_556 = arith.index_cast %add3A_512 : i32 to index
        %swap3A_557 = arith.constant 32 : index
        %swap3A_558 = tpu.vector_load %arg6[%swap3A_555, %swap3A_556, %swap3A_557] {strides = array<i32>} : memref<4x200x64xf32, #tpu.memory_space<vmem>>, vector<1x1x16xf32>,
        %swap3A_559 = vector.shape_cast %swap3A_558 : vector<1x1x16xf32> to vector<16xf32>
        %swap3A_560 = vector.shape_cast %mul3A_553 : vector<16xf32> to vector<1x1x16xf32>
        tpu.vector_store %arg6[%swap3A_555, %swap3A_556, %swap3A_557], %swap3A_560 {strides = array<i32>} : memref<4x200x64xf32, #tpu.memory_space<vmem>>, vector<1x1x16xf32>,
        %get3A_561 = arith.constant 3 : i32
        %get3A_562 = arith.index_cast %get3A_561 : i32 to index
        %get3A_563 = arith.index_cast %add3A_512 : i32 to index
        %get3A_564 = arith.constant 48 : index
        %get3A_565 = tpu.vector_load %arg6[%get3A_562, %get3A_563, %get3A_564] {strides = array<i32>} : memref<4x200x64xf32, #tpu.memory_space<vmem>>, vector<1x1x16xf32>,
        %get3A_566 = vector.shape_cast %get3A_565 : vector<1x1x16xf32> to vector<16xf32>
        %mul3A_567 = arith.constant 8.000000e+00 : f32
        %mul3A_568 = vector.broadcast %mul3A_567 : f32 to vector<16xf32>
        %mul3A_569 = arith.mulf %get3A_566, %mul3A_568 : vector<16xf32>
        %swap3A_570 = arith.constant 3 : i32
        %swap3A_571 = arith.index_cast %swap3A_570 : i32 to index
        %swap3A_572 = arith.index_cast %add3A_512 : i32 to index
        %swap3A_573 = arith.constant 48 : index
        %swap3A_574 = tpu.vector_load %arg6[%swap3A_571, %swap3A_572, %swap3A_573] {strides = array<i32>} : memref<4x200x64xf32, #tpu.memory_space<vmem>>, vector<1x1x16xf32>,
        %swap3A_575 = vector.shape_cast %swap3A_574 : vector<1x1x16xf32> to vector<16xf32>
        %swap3A_576 = vector.shape_cast %mul3A_569 : vector<16xf32> to vector<1x1x16xf32>
        tpu.vector_store %arg6[%swap3A_571, %swap3A_572, %swap3A_573], %swap3A_576 {strides = array<i32>} : memref<4x200x64xf32, #tpu.memory_space<vmem>>, vector<1x1x16xf32>,
      }
      %scan3A_280 = arith.constant 50 : i32
      %add3A_281 = arith.addi %mul3A_2, %add3A_263 : i32
      %dma_start3A_282 = arith.constant 3 : i32
      %dma_start3A_283 = arith.constant 0 : i32
      %dma_start3A_284 = arith.constant 0 : i32
      %dma_start3A_285 = tpu.memref_slice %arg6[%dma_start3A_282, %dma_start3A_283, %dma_start3A_284] : memref<4x200x64xf32, #tpu.memory_space<vmem>> -> memref<1x200x64xf32, #tpu.memory_space<vmem>>
      %dma_start3A_286 = tpu.memref_squeeze %dma_start3A_285 : memref<1x200x64xf32, #tpu.memory_space<vmem>> -> memref<200x64xf32, #tpu.memory_space<vmem>>
      %dma_start3A_287 = arith.constant 0 : i32
      %dma_start3A_288 = arith.constant 0 : i32
      %dma_start3A_289 = tpu.memref_slice %arg4[%add3A_281, %dma_start3A_287, %dma_start3A_288] : memref<4096x200x64xf32, #tpu.memory_space<hbm>> -> memref<1x200x64xf32, #tpu.memory_space<hbm>>
      %dma_start3A_290 = tpu.memref_squeeze %dma_start3A_289 : memref<1x200x64xf32, #tpu.memory_space<hbm>> -> memref<200x64xf32, #tpu.memory_space<hbm>>
      %dma_start3A_291 = arith.constant 0 : i32
      %dma_start3A_292 = arith.constant 0 : i32
      %dma_start3A_293 = tpu.memref_slice %arg4[%add3A_281, %dma_start3A_291, %dma_start3A_292] : memref<4096x200x64xf32, #tpu.memory_space<hbm>> -> memref<1x200x64xf32, #tpu.memory_space<hbm>>
      %dma_start3A_294 = tpu.memref_squeeze %dma_start3A_293 : memref<1x200x64xf32, #tpu.memory_space<hbm>> -> memref<200x64xf32, #tpu.memory_space<hbm>>
      %dma_start3A_295 = arith.constant 0 : i32
      %dma_start3A_296 = arith.constant 0 : i32
      %dma_start3A_297 = tpu.memref_slice %arg6[%dma_start3A_282, %dma_start3A_295, %dma_start3A_296] : memref<4x200x64xf32, #tpu.memory_space<vmem>> -> memref<1x200x64xf32, #tpu.memory_space<vmem>>
      %dma_start3A_298 = tpu.memref_squeeze %dma_start3A_297 : memref<1x200x64xf32, #tpu.memory_space<vmem>> -> memref<200x64xf32, #tpu.memory_space<vmem>>
      tpu.enqueue_dma source(%dma_start3A_298 : memref<200x64xf32, #tpu.memory_space<vmem>>) target(%dma_start3A_294 : memref<200x64xf32, #tpu.memory_space<hbm>>) target_semaphore(%arg14 : memref<!tpu.dma_semaphore, #tpu.memory_space<semaphore_mem>>)
      %add3A_299 = arith.constant 4 : i32
      %add3A_300 = arith.addi %add3A_263, %add3A_299 : i32
      %lt3A_301 = arith.constant 128 : i32
      %lt3A_302 = arith.cmpi slt, %add3A_300, %lt3A_301 : i32
      %convert_element_type3A_303 = arith.extui %lt3A_302 : i1 to i32
      %cond3A_304 = arith.constant 0 : i32
      %cond3A_305 = arith.cmpi ne, %convert_element_type3A_303, %cond3A_304 : i32
      scf.if %cond3A_305 {
        %add3A_306 = arith.addi %mul3A_2, %add3A_263 : i32
        %dma_wait3A_307 = arith.constant 3 : i32
        %dma_wait3A_308 = arith.constant 0 : i32
        %dma_wait3A_309 = arith.constant 0 : i32
        %dma_wait3A_310 = tpu.memref_slice %arg6[%dma_wait3A_307, %dma_wait3A_308, %dma_wait3A_309] : memref<4x200x64xf32, #tpu.memory_space<vmem>> -> memref<1x200x64xf32, #tpu.memory_space<vmem>>
        %dma_wait3A_311 = tpu.memref_squeeze %dma_wait3A_310 : memref<1x200x64xf32, #tpu.memory_space<vmem>> -> memref<200x64xf32, #tpu.memory_space<vmem>>
        %dma_wait3A_312 = arith.constant 0 : i32
        %dma_wait3A_313 = arith.constant 0 : i32
        %dma_wait3A_314 = tpu.memref_slice %arg4[%add3A_306, %dma_wait3A_312, %dma_wait3A_313] : memref<4096x200x64xf32, #tpu.memory_space<hbm>> -> memref<1x200x64xf32, #tpu.memory_space<hbm>>
        %dma_wait3A_315 = tpu.memref_squeeze %dma_wait3A_314 : memref<1x200x64xf32, #tpu.memory_space<hbm>> -> memref<200x64xf32, #tpu.memory_space<hbm>>
        %dma_wait3A_316 = arith.constant 0 : i32
        %dma_wait3A_317 = arith.constant 0 : i32
        %dma_wait3A_318 = tpu.memref_slice %arg4[%add3A_306, %dma_wait3A_316, %dma_wait3A_317] : memref<4096x200x64xf32, #tpu.memory_space<hbm>> -> memref<1x200x64xf32, #tpu.memory_space<hbm>>
        %dma_wait3A_319 = tpu.memref_squeeze %dma_wait3A_318 : memref<1x200x64xf32, #tpu.memory_space<hbm>> -> memref<200x64xf32, #tpu.memory_space<hbm>>
        %dma_wait3A_320 = arith.constant 0 : i32
        %dma_wait3A_321 = arith.constant 0 : i32
        %dma_wait3A_322 = tpu.memref_slice %arg6[%dma_wait3A_307, %dma_wait3A_320, %dma_wait3A_321] : memref<4x200x64xf32, #tpu.memory_space<vmem>> -> memref<1x200x64xf32, #tpu.memory_space<vmem>>
        %dma_wait3A_323 = tpu.memref_squeeze %dma_wait3A_322 : memref<1x200x64xf32, #tpu.memory_space<vmem>> -> memref<200x64xf32, #tpu.memory_space<vmem>>
        tpu.wait_dma2 semaphore(%arg14 : memref<!tpu.dma_semaphore, #tpu.memory_space<semaphore_mem>>) src(%dma_wait3A_323 : memref<200x64xf32, #tpu.memory_space<vmem>>) dst(%dma_wait3A_319 : memref<200x64xf32, #tpu.memory_space<hbm>>)
        %add3A_324 = arith.constant 4 : i32
        %add3A_325 = arith.addi %add3A_263, %add3A_324 : i32
        %dma_start3A_326 = arith.constant 3 : i32
        %dma_start3A_327 = arith.constant 0 : i32
        %dma_start3A_328 = arith.constant 0 : i32
        %dma_start3A_329 = tpu.memref_slice %arg6[%dma_start3A_326, %dma_start3A_327, %dma_start3A_328] : memref<4x200x64xf32, #tpu.memory_space<vmem>> -> memref<1x200x64xf32, #tpu.memory_space<vmem>>
        %dma_start3A_330 = tpu.memref_squeeze %dma_start3A_329 : memref<1x200x64xf32, #tpu.memory_space<vmem>> -> memref<200x64xf32, #tpu.memory_space<vmem>>
        %dma_start3A_331 = arith.constant 0 : i32
        %dma_start3A_332 = tpu.memref_slice %arg5[%add3A_325, %dma_start3A_331] : memref<128x200xi32, #tpu.memory_space<vmem>> -> memref<1x200xi32, #tpu.memory_space<vmem>>
        %dma_start3A_333 = tpu.memref_squeeze %dma_start3A_332 : memref<1x200xi32, #tpu.memory_space<vmem>> -> memref<200xi32, #tpu.memory_space<vmem>>
        %dma_start3A_334 = arith.constant 0 : i32
        %dma_start3A_335 = arith.constant 0 : i32
        %dma_start3A_336 = tpu.memref_slice %arg3[%dma_start3A_334, %dma_start3A_335] : memref<1000000x64xf32, #tpu.memory_space<hbm>> -> memref<1000000x64xf32, #tpu.memory_space<hbm>>
        tpu.enqueue_indirect_dma source(%dma_start3A_336 : memref<1000000x64xf32, #tpu.memory_space<hbm>>) target(%dma_start3A_330 : memref<200x64xf32, #tpu.memory_space<vmem>>) offsets(%dma_start3A_333 : memref<200xi32, #tpu.memory_space<vmem>>) semaphore(%arg10 : memref<!tpu.dma_semaphore, #tpu.memory_space<semaphore_mem>>)
      } else {
      }
    }
    %scan3A_54 = arith.constant 32 : i32
    %add3A_55 = arith.constant 124 : i32
    %add3A_56 = arith.addi %mul3A_2, %add3A_55 : i32
    %dma_wait3A = arith.constant 0 : i32
    %dma_wait3A_57 = arith.constant 0 : i32
    %dma_wait3A_58 = arith.constant 0 : i32
    %dma_wait3A_59 = tpu.memref_slice %arg6[%dma_wait3A, %dma_wait3A_57, %dma_wait3A_58] : memref<4x200x64xf32, #tpu.memory_space<vmem>> -> memref<1x200x64xf32, #tpu.memory_space<vmem>>
    %dma_wait3A_60 = tpu.memref_squeeze %dma_wait3A_59 : memref<1x200x64xf32, #tpu.memory_space<vmem>> -> memref<200x64xf32, #tpu.memory_space<vmem>>
    %dma_wait3A_61 = arith.constant 0 : i32
    %dma_wait3A_62 = arith.constant 0 : i32
    %dma_wait3A_63 = tpu.memref_slice %arg4[%add3A_56, %dma_wait3A_61, %dma_wait3A_62] : memref<4096x200x64xf32, #tpu.memory_space<hbm>> -> memref<1x200x64xf32, #tpu.memory_space<hbm>>
    %dma_wait3A_64 = tpu.memref_squeeze %dma_wait3A_63 : memref<1x200x64xf32, #tpu.memory_space<hbm>> -> memref<200x64xf32, #tpu.memory_space<hbm>>
    %dma_wait3A_65 = arith.constant 0 : i32
    %dma_wait3A_66 = arith.constant 0 : i32
    %dma_wait3A_67 = tpu.memref_slice %arg4[%add3A_56, %dma_wait3A_65, %dma_wait3A_66] : memref<4096x200x64xf32, #tpu.memory_space<hbm>> -> memref<1x200x64xf32, #tpu.memory_space<hbm>>
    %dma_wait3A_68 = tpu.memref_squeeze %dma_wait3A_67 : memref<1x200x64xf32, #tpu.memory_space<hbm>> -> memref<200x64xf32, #tpu.memory_space<hbm>>
    %dma_wait3A_69 = arith.constant 0 : i32
    %dma_wait3A_70 = arith.constant 0 : i32
    %dma_wait3A_71 = tpu.memref_slice %arg6[%dma_wait3A, %dma_wait3A_69, %dma_wait3A_70] : memref<4x200x64xf32, #tpu.memory_space<vmem>> -> memref<1x200x64xf32, #tpu.memory_space<vmem>>
    %dma_wait3A_72 = tpu.memref_squeeze %dma_wait3A_71 : memref<1x200x64xf32, #tpu.memory_space<vmem>> -> memref<200x64xf32, #tpu.memory_space<vmem>>
    tpu.wait_dma2 semaphore(%arg11 : memref<!tpu.dma_semaphore, #tpu.memory_space<semaphore_mem>>) src(%dma_wait3A_72 : memref<200x64xf32, #tpu.memory_space<vmem>>) dst(%dma_wait3A_68 : memref<200x64xf32, #tpu.memory_space<hbm>>)
    %add3A_73 = arith.constant 125 : i32
    %add3A_74 = arith.addi %mul3A_2, %add3A_73 : i32
    %dma_wait3A_75 = arith.constant 1 : i32
    %dma_wait3A_76 = arith.constant 0 : i32
    %dma_wait3A_77 = arith.constant 0 : i32
    %dma_wait3A_78 = tpu.memref_slice %arg6[%dma_wait3A_75, %dma_wait3A_76, %dma_wait3A_77] : memref<4x200x64xf32, #tpu.memory_space<vmem>> -> memref<1x200x64xf32, #tpu.memory_space<vmem>>
    %dma_wait3A_79 = tpu.memref_squeeze %dma_wait3A_78 : memref<1x200x64xf32, #tpu.memory_space<vmem>> -> memref<200x64xf32, #tpu.memory_space<vmem>>
    %dma_wait3A_80 = arith.constant 0 : i32
    %dma_wait3A_81 = arith.constant 0 : i32
    %dma_wait3A_82 = tpu.memref_slice %arg4[%add3A_74, %dma_wait3A_80, %dma_wait3A_81] : memref<4096x200x64xf32, #tpu.memory_space<hbm>> -> memref<1x200x64xf32, #tpu.memory_space<hbm>>
    %dma_wait3A_83 = tpu.memref_squeeze %dma_wait3A_82 : memref<1x200x64xf32, #tpu.memory_space<hbm>> -> memref<200x64xf32, #tpu.memory_space<hbm>>
    %dma_wait3A_84 = arith.constant 0 : i32
    %dma_wait3A_85 = arith.constant 0 : i32
    %dma_wait3A_86 = tpu.memref_slice %arg4[%add3A_74, %dma_wait3A_84, %dma_wait3A_85] : memref<4096x200x64xf32, #tpu.memory_space<hbm>> -> memref<1x200x64xf32, #tpu.memory_space<hbm>>
    %dma_wait3A_87 = tpu.memref_squeeze %dma_wait3A_86 : memref<1x200x64xf32, #tpu.memory_space<hbm>> -> memref<200x64xf32, #tpu.memory_space<hbm>>
    %dma_wait3A_88 = arith.constant 0 : i32
    %dma_wait3A_89 = arith.constant 0 : i32
    %dma_wait3A_90 = tpu.memref_slice %arg6[%dma_wait3A_75, %dma_wait3A_88, %dma_wait3A_89] : memref<4x200x64xf32, #tpu.memory_space<vmem>> -> memref<1x200x64xf32, #tpu.memory_space<vmem>>
    %dma_wait3A_91 = tpu.memref_squeeze %dma_wait3A_90 : memref<1x200x64xf32, #tpu.memory_space<vmem>> -> memref<200x64xf32, #tpu.memory_space<vmem>>
    tpu.wait_dma2 semaphore(%arg12 : memref<!tpu.dma_semaphore, #tpu.memory_space<semaphore_mem>>) src(%dma_wait3A_91 : memref<200x64xf32, #tpu.memory_space<vmem>>) dst(%dma_wait3A_87 : memref<200x64xf32, #tpu.memory_space<hbm>>)
    %add3A_92 = arith.constant 126 : i32
    %add3A_93 = arith.addi %mul3A_2, %add3A_92 : i32
    %dma_wait3A_94 = arith.constant 2 : i32
    %dma_wait3A_95 = arith.constant 0 : i32
    %dma_wait3A_96 = arith.constant 0 : i32
    %dma_wait3A_97 = tpu.memref_slice %arg6[%dma_wait3A_94, %dma_wait3A_95, %dma_wait3A_96] : memref<4x200x64xf32, #tpu.memory_space<vmem>> -> memref<1x200x64xf32, #tpu.memory_space<vmem>>
    %dma_wait3A_98 = tpu.memref_squeeze %dma_wait3A_97 : memref<1x200x64xf32, #tpu.memory_space<vmem>> -> memref<200x64xf32, #tpu.memory_space<vmem>>
    %dma_wait3A_99 = arith.constant 0 : i32
    %dma_wait3A_100 = arith.constant 0 : i32
    %dma_wait3A_101 = tpu.memref_slice %arg4[%add3A_93, %dma_wait3A_99, %dma_wait3A_100] : memref<4096x200x64xf32, #tpu.memory_space<hbm>> -> memref<1x200x64xf32, #tpu.memory_space<hbm>>
    %dma_wait3A_102 = tpu.memref_squeeze %dma_wait3A_101 : memref<1x200x64xf32, #tpu.memory_space<hbm>> -> memref<200x64xf32, #tpu.memory_space<hbm>>
    %dma_wait3A_103 = arith.constant 0 : i32
    %dma_wait3A_104 = arith.constant 0 : i32
    %dma_wait3A_105 = tpu.memref_slice %arg4[%add3A_93, %dma_wait3A_103, %dma_wait3A_104] : memref<4096x200x64xf32, #tpu.memory_space<hbm>> -> memref<1x200x64xf32, #tpu.memory_space<hbm>>
    %dma_wait3A_106 = tpu.memref_squeeze %dma_wait3A_105 : memref<1x200x64xf32, #tpu.memory_space<hbm>> -> memref<200x64xf32, #tpu.memory_space<hbm>>
    %dma_wait3A_107 = arith.constant 0 : i32
    %dma_wait3A_108 = arith.constant 0 : i32
    %dma_wait3A_109 = tpu.memref_slice %arg6[%dma_wait3A_94, %dma_wait3A_107, %dma_wait3A_108] : memref<4x200x64xf32, #tpu.memory_space<vmem>> -> memref<1x200x64xf32, #tpu.memory_space<vmem>>
    %dma_wait3A_110 = tpu.memref_squeeze %dma_wait3A_109 : memref<1x200x64xf32, #tpu.memory_space<vmem>> -> memref<200x64xf32, #tpu.memory_space<vmem>>
    tpu.wait_dma2 semaphore(%arg13 : memref<!tpu.dma_semaphore, #tpu.memory_space<semaphore_mem>>) src(%dma_wait3A_110 : memref<200x64xf32, #tpu.memory_space<vmem>>) dst(%dma_wait3A_106 : memref<200x64xf32, #tpu.memory_space<hbm>>)
    %add3A_111 = arith.constant 127 : i32
    %add3A_112 = arith.addi %mul3A_2, %add3A_111 : i32
    %dma_wait3A_113 = arith.constant 3 : i32
    %dma_wait3A_114 = arith.constant 0 : i32
    %dma_wait3A_115 = arith.constant 0 : i32
    %dma_wait3A_116 = tpu.memref_slice %arg6[%dma_wait3A_113, %dma_wait3A_114, %dma_wait3A_115] : memref<4x200x64xf32, #tpu.memory_space<vmem>> -> memref<1x200x64xf32, #tpu.memory_space<vmem>>
    %dma_wait3A_117 = tpu.memref_squeeze %dma_wait3A_116 : memref<1x200x64xf32, #tpu.memory_space<vmem>> -> memref<200x64xf32, #tpu.memory_space<vmem>>
    %dma_wait3A_118 = arith.constant 0 : i32
    %dma_wait3A_119 = arith.constant 0 : i32
    %dma_wait3A_120 = tpu.memref_slice %arg4[%add3A_112, %dma_wait3A_118, %dma_wait3A_119] : memref<4096x200x64xf32, #tpu.memory_space<hbm>> -> memref<1x200x64xf32, #tpu.memory_space<hbm>>
    %dma_wait3A_121 = tpu.memref_squeeze %dma_wait3A_120 : memref<1x200x64xf32, #tpu.memory_space<hbm>> -> memref<200x64xf32, #tpu.memory_space<hbm>>
    %dma_wait3A_122 = arith.constant 0 : i32
    %dma_wait3A_123 = arith.constant 0 : i32
    %dma_wait3A_124 = tpu.memref_slice %arg4[%add3A_112, %dma_wait3A_122, %dma_wait3A_123] : memref<4096x200x64xf32, #tpu.memory_space<hbm>> -> memref<1x200x64xf32, #tpu.memory_space<hbm>>
    %dma_wait3A_125 = tpu.memref_squeeze %dma_wait3A_124 : memref<1x200x64xf32, #tpu.memory_space<hbm>> -> memref<200x64xf32, #tpu.memory_space<hbm>>
    %dma_wait3A_126 = arith.constant 0 : i32
    %dma_wait3A_127 = arith.constant 0 : i32
    %dma_wait3A_128 = tpu.memref_slice %arg6[%dma_wait3A_113, %dma_wait3A_126, %dma_wait3A_127] : memref<4x200x64xf32, #tpu.memory_space<vmem>> -> memref<1x200x64xf32, #tpu.memory_space<vmem>>
    %dma_wait3A_129 = tpu.memref_squeeze %dma_wait3A_128 : memref<1x200x64xf32, #tpu.memory_space<vmem>> -> memref<200x64xf32, #tpu.memory_space<vmem>>
    tpu.wait_dma2 semaphore(%arg14 : memref<!tpu.dma_semaphore, #tpu.memory_space<semaphore_mem>>) src(%dma_wait3A_129 : memref<200x64xf32, #tpu.memory_space<vmem>>) dst(%dma_wait3A_125 : memref<200x64xf32, #tpu.memory_space<hbm>>)
    return
  }
}

</mosaic_0001>

<sc_bundles>
// kernel: kernel.3.cloned.1.call-start
scs
__scs_entry_jumppad:
0x0: {  	(pc) =	sbr.rel $0x88, $3  }
0x1: {  	(tag) =	ssettag $0x0;
	lr =	simm.s32 $0x1  }
0x2: {  	[smem:$0x3F9F] =	sst lr;
	_ =	strace $0xD0000000  }
0x3: {  	_ = 	snop  }
0x4: {  	_ = 	snop  }
0x5: {  	_ = 	snop  }
0x6: {  	_ = 	snop  }
0x7: {  	_ = 	snop  }
__scs_overlays_trampoline_lowered:
0x8: {  	[smem:$0x3FAE] =	sst s0  }
0x9: {  	[smem:$0x3FAF] =	sst s1  }
0xa: {  	[smem:$0x3FB0] =	sst s2  }
0xb: {  	[smem:$0x3FB1] =	sst s3  }
0xc: {  	[smem:$0x3FB2] =	sst s4  }
0xd: {  	[smem:$0x3FB3] =	sst s5  }
0xe: {  	[smem:$0x3FB4] =	sst s6  }
0xf: {  	[smem:$0x3FB5] =	sst s7  }
0x10: {  	[smem:$0x3FB6] =	sst s8  }
0x11: {  	[smem:$0x3FB7] =	sst s9;
	s0 =	simm.s32 @!p0 $0x0  }
0x12: {  	s1 =	sld [smem:$0x3F9D];
	s0 =	simm.s32 @p0 $0x1  }
0x13: {  	[smem:$0x3FB8] =	sst s0;
	s0 =	simm.s32 @!p1 $0x0  }
0x14: {  	s2 =	sld [smem:$0x3F9C];
	s0 =	simm.s32 @p1 $0x1  }
0x15: {  	[smem:$0x3FB9] =	sst s0;
	s0 =	simm.s32 @!p2 $0x0  }
0x16: {  	s3 =	sld [smem:$0x3FDB];
	s0 =	simm.s32 @p2 $0x1  }
0x17: {  	s4 =	simm.s32 $0x1BF5;
	[smem:$0x3FBB] =	sst s0  }
0x18: {  	s0 =	sld [smem:$0x3F9E];
	_ =	swait.ge [sflag:s4], $0x0  }
0x19: {  	s7 =	sld [smem:$0x3F9F]  }
0x1a: {  	s8 =	sadd.s32 $0xFFFFE003, lr  }
0x1b: {  	s9 =	sadd.s32 $0xFFFFFEF7, lr;
	s5 =	simm.s32 $0xFFFFFFFF;
	p2 =	slt.u32 s8, $0xFFFFF086  }
0x1c: {  	p1 =	slt.u32 s9, $0xF7A;
	s5 =	simm.s32 @!p2 $0x0  }
0x1d: {  	s5 =	simm.s32 @p1 $0x1;
	p0 =	seq.s32 s7, s2  }
0x1e: {  	s7 =	smul.u32 @!p0 $0xF7A, s2;
	p2 =	seq.s32 @!p0 s5, $0x0  }
0x1f: {  	s9 =	smul.u32 $0xF7A, s1;
	s8 =	simm.s32 @!p0 $0x1BF5;
	p2 =	por !p2, p0  }
0x20: {  	[sflag:s8] =	ssyncset.s32 @!p0 $0xFFFFF086;
	s6 =	sadd.s32 @!p0 s3, s7;
	s7 =	simm.s32 @!p0 $0x108  }
0x21: {  	s3 =	sadd.s32 s3, s9;
	s6 =	sadd.s32 @!p0 $0x88, s6;
	s7 =	simm.s32 @p2 $0x1082  }
0x22: {  	[simem:s7], [sflag:s8] =	dma.local @!p0 [hbm:s6], $0xF7A  }
0x23: {  	s9 =	sor.u32 $0xD0000000, s2;
	s6 =	simm.s32 $0x108;
	_ =	swait.ge @!p0 [sflag:s8], $0x0  }
0x24: {  	s3 =	sadd.s32 $0x88, s3;
	s6 =	simm.s32 @!p1 $0x1082;
	[sflag:s4] =	ssyncset.s32 $0xFFFFF086  }
0x25: {  	[simem:s6], [sflag:s4] =	dma.local [hbm:s3], $0xF7A  }
0x26: {  	[smem:$0x3F9F] =	sst s1;
	(tag) =	ssettag s2;
	_ =	strace s9  }
0x27: {  	s1 =	sld [smem:$0x3FAF]  }
0x28: {  	s2 =	sld [smem:$0x3FB0]  }
0x29: {  	s4 =	sld [smem:$0x3FB2]  }
0x2a: {  	p0 =	seq.s32 s5, $0x0;
	s5 =	sld [smem:$0x3FB3]  }
0x2b: {  	s6 =	sld [smem:$0x3FB4]  }
0x2c: {  	s7 =	sld [smem:$0x3FB5]  }
0x2d: {  	s3 =	simm.s32 $0x108;
	s8 =	sld [smem:$0x3FB6]  }
0x2e: {  	s3 =	simm.s32 @!p0 $0x1082;
	s9 =	sld [smem:$0x3FB7]  }
0x2f: {  	lr =	sadd.s32 s0, s3;
	s0 =	sld [smem:$0x3FAE]  }
0x30: {  	s3 =	sld [smem:$0x3FB1]  }
0x31: {  	[smem:$0x3FBA] =	sst s10  }
0x32: {  	s10 =	sld [smem:$0x3FB8];
	_ =	sdelay $0x3  }
0x33: {  	p0 =	seq.s32 s10, $0x1;
	s10 =	sld [smem:$0x3FBA];
	_ =	sdelay $0x3  }
0x34: {  	[smem:$0x3FBA] =	sst s10  }
0x35: {  	s10 =	sld [smem:$0x3FB9];
	_ =	sdelay $0x3  }
0x36: {  	p1 =	seq.s32 s10, $0x1;
	s10 =	sld [smem:$0x3FBA];
	_ =	sdelay $0x3  }
0x37: {  	[smem:$0x3FBA] =	sst s10  }
0x38: {  	s10 =	sld [smem:$0x3FBB]  }
0x39: {  	_ = 	snop;
	(pc) =	sbr.ind lr, $3  }
0x3a: {  	_ = 	snop  }
0x3b: {  	_ = 	snop  }
0x3c: {  	p2 =	seq.s32 s10, $0x1;
	s10 =	sld [smem:$0x3FBA]  }
0x3d: {  	_ =	shalt  }
0x3e: {  	_ =	shalt  }
0x3f: {  	_ =	shalt  }
0x40: {  	_ =	shalt  }
0x41: {  	_ =	shalt  }
0x42: {  	_ =	shalt  }
0x43: {  	_ =	shalt  }
0x44: {  	_ =	shalt  }
0x45: {  	_ =	shalt  }
0x46: {  	_ =	shalt  }
0x47: {  	_ =	shalt  }
0x48: {  	_ =	shalt  }
0x49: {  	_ =	shalt  }
0x4a: {  	_ =	shalt  }
0x4b: {  	_ =	shalt  }
0x4c: {  	_ =	shalt  }
0x4d: {  	_ =	shalt  }
0x4e: {  	_ =	shalt  }
0x4f: {  	_ =	shalt  }
0x50: {  	_ =	shalt  }
0x51: {  	_ =	shalt  }
0x52: {  	_ =	shalt  }
0x53: {  	_ =	shalt  }
0x54: {  	_ =	shalt  }
0x55: {  	_ =	shalt  }
0x56: {  	_ =	shalt  }
0x57: {  	_ =	shalt  }
0x58: {  	_ =	shalt  }
0x59: {  	_ =	shalt  }
0x5a: {  	_ =	shalt  }
0x5b: {  	_ =	shalt  }
0x5c: {  	_ =	shalt  }
0x5d: {  	_ =	shalt  }
0x5e: {  	_ =	shalt  }
0x5f: {  	_ =	shalt  }
0x60: {  	_ =	shalt  }
0x61: {  	_ =	shalt  }
0x62: {  	_ =	shalt  }
0x63: {  	_ =	shalt  }
0x64: {  	_ =	shalt  }
0x65: {  	_ =	shalt  }
0x66: {  	_ =	shalt  }
0x67: {  	_ =	shalt  }
0x68: {  	_ =	shalt  }
0x69: {  	_ =	shalt  }
0x6a: {  	_ =	shalt  }
0x6b: {  	_ =	shalt  }
0x6c: {  	_ =	shalt  }
0x6d: {  	_ =	shalt  }
0x6e: {  	_ =	shalt  }
0x6f: {  	_ =	shalt  }
0x70: {  	_ =	shalt  }
0x71: {  	_ =	shalt  }
0x72: {  	_ =	shalt  }
0x73: {  	_ =	shalt  }
0x74: {  	_ =	shalt  }
0x75: {  	_ =	shalt  }
0x76: {  	_ =	shalt  }
0x77: {  	_ =	shalt  }
0x78: {  	_ =	shalt  }
0x79: {  	_ =	shalt  }
0x7a: {  	_ =	shalt  }
0x7b: {  	_ =	shalt  }
0x7c: {  	_ =	shalt  }
0x7d: {  	_ =	shalt  }
0x7e: {  	_ =	shalt  }
0x7f: {  	_ =	shalt  }
0x80: {  	_ =	shalt  }
0x81: {  	_ =	shalt  }
0x82: {  	_ =	shalt  }
0x83: {  	_ =	shalt  }
0x84: {  	_ =	shalt  }
0x85: {  	_ =	shalt  }
0x86: {  	_ =	shalt  }
0x87: {  	_ =	shalt  }
.Lfunc_end0:
.L_simem_size_0:
called_computation.1_lowered:
.L_overlay_start_0:
0x88: {  	s2 =	sld [smem:$0x3FD9]  }
0x89: {  	s3 =	sld [smem:$0x3FFE];
	_ =	sdelay $0x1  }
0x8a: {  	s1 =	srdreg.scid  }
0x8b: {  	s0 =	sand.u32 $0x1, s1  }
0x8c: {  	s17 =	sshll.u32 s0, $0xA;
	s2 =	sadd.s32 s3, s2  }
0x8d: {  	s2 =	sadd.s32 s2, s17  }
0x8e: {  	[smem:$0x3FC6] =	sst s2  }
0x8f: {  	_ = 	snop  }
0x90: {  	s2 =	sld [smem:$0x3FD0];
	(tm) =	ssettm $0x1  }
0x91: {  	s18 =	sld [smem:$0x3FFB];
	_ =	sdelay $0x3  }
0x92: {  	_ =	strace s18  }
0x93: {  	s3 =	sld [smem:$0x3FFC];
	_ =	sdelay $0x3  }
0x94: {  	_ =	strace s3  }
0x95: {  	s3 =	sld [smem:$0x3FFD];
	_ =	sdelay $0x3  }
0x96: {  	_ =	strace s3  }
0x97: {  	_ =	strace $0x8FFFFFFF  }
0x98: {  	s19 =	sld [smem:$0x3FDB];
	_ =	sdelay $0x1  }
0x99: {  	s4 =	simm.s32 $_scs_section_size  }
0x9a: {  	s5 =	simm.s32 $_size__tile_overlayer_lowered;
	s6 =	simm.s32 $_tile_overlayer_lowered  }
0x9b: {  	s22 =	simm.s32 $0x1BFF;
	s21 =	sshll.u32 s6, $0x1;
	s3 =	sadd.s32 s4, s19  }
0x9c: {  	s7 =	simm.s32 $0x0;
	s20 =	sshll.u32 s5, $0x1;
	s5 =	sadd.s32 s21, s3  }
0x9d: {  	[timem:s7], [sflag:s22] =	dma.local [hbm:s5], s20  }
0x9e: {  	_ =	swait.ge [sflag:s22], s20  }
0x9f: {  	s4 =	ssub.s32 $0x0, s20;
	[sflag:s22] =	ssyncset.done $0x0  }
0xa0: {  	[sflag:s22] =	ssyncadd.s32 s4;
	_ =	sdelay $0x1  }
0xa1: {  	s23 =	simm.s32 $0x1B8B  }
0xa2: {  	_ =	swait.ge [sflag:s23], $0x1  }
0xa3: {  	[sflag:s23] =	ssyncset.done $0x0  }
0xa4: {  	s25 =	simm.s32 $0x1B8E;
	s24 =	sld [smem:$0x3FFE];
	[sflag:s23] =	ssyncadd.s32 $0xFFFFFFFF  }
0xa5: {  	s26 =	simm.s32 $execute0_lowered;
	[smem:$0x3FD2] =	sst s25  }
0xa6: {  	s5 =	sshll.u32 s26, $0x1;
	_ =	strace $0x80000046;
	[dreg:$0x1] =	wrdreg $0xFFFFFFFF  }
0xa7: {  	s28 =	simm.s32 $_size_execute0_lowered;
	s3 =	sadd.s32 s3, s5;
	[dreg:$0x0] =	wrdreg $0x0  }
0xa8: {  	s5 =	sshll.u32 s28, $0x1;
	[dreg:$0x2] =	wrdreg s3  }
0xa9: {  	[dreg:$0x3] =	wrdreg s5  }
0xaa: {  	[dreg:$0x4] =	wrdreg $0xC0  }
0xab: {  	_ =	task [dreg:s7], $0x5FFFF  }
0xac: {  	[dreg:$0x1] =	wrdreg $0xFFFFFFFF  }
0xad: {  	[dreg:$0x0] =	wrdreg $0x60  }
0xae: {  	[dreg:$0x2] =	wrdreg s24  }
0xaf: {  	[dreg:$0x3] =	wrdreg s2  }
0xb0: {  	[dreg:$0x4] =	wrdreg $0x9  }
0xb1: {  	_ =	task.clear_ibuf [dreg:s7], $0x5FFFF;
	_ =	strace $0x90000046  }
0xb2: {  	s29 =	simm.s32 $0x9;
	_ =	strace $0x80000048  }
0xb3: {  	_ =	swait.ge [sflag:s29], $0x1  }
0xb4: {  	[sflag:s29] =	ssyncadd.s32 $0xFFFFFFFF  }
0xb5: {  	_ =	strace $0x90000048  }
0xb6: {  	_ =	sfence  }
0xb7: {  	s30 =	sld [smem:$0x0];
	_ =	sdelay $0x2  }
0xb8: {  	s31 =	sshll.u32 s1, $0xD;
	s1 =	sshrl.u32 s1, $0x2  }
0xb9: {  	s3 =	sand.u32 $0x4000, s31;
	s1 =	sadd.s32 s1, s30  }
0xba: {  	s0 =	sor.u32 s3, s0;
	s1 =	sshll.u32 s1, $0x11  }
0xbb: {  	s0 =	sor.u32 s1, s0  }
0xbc: {  	s0 =	sadd.s32 $0x8F2B, s0  }
0xbd: {  	[sflag:s0] =	ssyncadd.remote.s32 $0x1  }
0xbe: {  	_ =	sfence.sel $0xFFFF  }
0xbf: {  	[dreg:$0x0] =	wrdreg $0xFFFFFFFF;
	(pc) =	sbr.abs _section_cstart, $3  }
0xc0: {  	[dreg:$0x1] =	wrdreg $0xFFFFFFFF  }
0xc1: {  	_ =	task.clear_ibuf [dreg:s7], $0x2FFFF;
	_ =	strace $0x9FFFFFFF  }
0xc2: {  	(tm) =	ssettm $0x7FFFFFFF  }
0xc3: {  	_ =	shalt  }
tec
execute0_lowered:
.L_overlay_start_1:
0x0: {  	(tag) =	ssettag $0x1  }
0x1: {  	s1 =	srdreg.scid;
	s6 =	rddreg [dreg:$0x0]  }
0x2: {  	s0 =	stileid.u32;
	s2 =	rddreg [dreg:$0x1];
	s4 =	simm.s32 $0x0  }
0x3: {  	s10 =	simm.s32 $0x6400;
	s11 =	simm.s32 $0x9600;
	s12 =	simm.s32 $0x190  }
0x4: {  	s13 =	simm.s32 $0xC800;
	s14 =	simm.s32 $0x258;
	s15 =	simm.s32 $0xFA00  }
0x5: {  	s16 =	simm.s32 $0x1;
	s17 =	simm.s32 $0x2;
	s18 =	simm.s32 $0x3  }
0x6: {  	s19 =	simm.s32 $0x4;
	s20 =	simm.s32 $0x5;
	s21 =	simm.s32 $0x6  }
0x7: {  	s22 =	simm.s32 $0x7;
	s23 =	simm.s32 $0x8;
	s5 =	sand.u32 $0x1, s1  }
0x8: {  	s24 =	simm.s32 $0x0;
	s31 =	sshll.u32 s0, $0x8;
	s3 =	sshll.u32 s5, $0x7  }
.Ltmp0:
0x9: {  	s1 =	rddreg [dreg:$0x2];
	s3 =	sor.u32 s3, s31;
	(pc) =	sbr.rel .LBB2_1-.Ltmp0, $4  }
0xa: {  	[smem:$0x7FF] =	sst s4;
	s8 =	ssub.s32 $0x2, s5;
	s7 =	smul.u32 $0x19, s3  }
0xb: {  	_ =	strace $0x80000047;
	s5 =	sadd.s32 $0xF42E00, s6;
	s9 =	sshrl.u32 s8, $0x1  }
0xc: {  	s8 =	ssub.s32 s8, s9;
	s9 =	simm.s32 $0xC8;
	s7 =	sadd.s32 s7, s6  }
0xd: {  	s6 =	sadd.s32 $0xA00, s7;
	s7 =	smax.u32 s8, $0x1;
	s8 =	simm.s32 $0x9  }
.LBB2_12:
0xe: {  	_ =	swait.ge [sflag:s20], $0x3200  }
0xf: {  	[sflag:s20] =	ssyncset.done $0x0  }
0x10: {  	[sflag:s20] =	ssyncadd.s32 $0xFFFFCE00  }
0x11: {  	_ =	swait.ge [sflag:s21], $0x3200  }
0x12: {  	[sflag:s21] =	ssyncset.done $0x0  }
0x13: {  	s24 =	sadd.s32 $0x1, s24;
	[sflag:s21] =	ssyncadd.s32 $0xFFFFCE00  }
0x14: {  	p0 =	sne.s32 s24, s7;
	_ =	swait.ge [sflag:s22], $0x3200  }
.Ltmp1:
0x15: {  	[sflag:s22] =	ssyncset.done $0x0;
	(pc) =	sbr.rel @!p0 .LBB2_13-.Ltmp1, $4  }
0x16: {  	[sflag:s22] =	ssyncadd.s32 $0xFFFFCE00  }
0x17: {  	_ =	swait.ge [sflag:s23], $0x3200  }
0x18: {  	[sflag:s23] =	ssyncset.done $0x0  }
0x19: {  	[sflag:s23] =	ssyncadd.s32 $0xFFFFCE00  }
.LBB2_1:
0x1a: {  	[tilespmem:s4], [sflag:$0x9] =	stream.linear.gather [hbm4b:s6+s4], $0x6400, $0x38;
	[tilespmem:$0x12C00] =	vst v63  }
0x1b: {  	_ =	swait.ge [sflag:s8], $0x6400  }
0x1c: {  	[sflag:s8] =	ssyncset.done $0x0  }
0x1d: {  	[sflag:s8] =	ssyncadd.s32 $0xFFFF9C00  }
0x1e: {  	[tilespmem:s10], [sflag:$0x1] =	stream.indirect.gather [hbm4b:s5+s9], $0x40, s4, s9, $0xb8;
	[tilespmem:$0x12C00] =	vst v63  }
0x1f: {  	_ = 	snop  }
0x20: {  	[tilespmem:s11], [sflag:$0x2] =	stream.indirect.gather [hbm4b:s5+s9], $0x40, s9, s9, $0xb8;
	[tilespmem:$0x12C00] =	vst v63  }
0x21: {  	_ = 	snop  }
0x22: {  	[tilespmem:s13], [sflag:$0x3] =	stream.indirect.gather [hbm4b:s5+s9], $0x40, s12, s9, $0xb8;
	[tilespmem:$0x12C00] =	vst v63  }
0x23: {  	s25 =	simm.s32 $0x0  }
0x24: {  	[tilespmem:s15], [sflag:$0x4] =	stream.indirect.gather [hbm4b:s5+s9], $0x40, s14, s9, $0xb8;
	[tilespmem:$0x12C00] =	vst v63  }
.LBB2_2:
0x25: {  	_ =	swait.ge [sflag:s16], $0x3200  }
0x26: {  	[sflag:s16] =	ssyncset.done $0x0  }
0x27: {  	s26 =	simm.s32 $0x0;
	[sflag:s16] =	ssyncadd.s32 $0xFFFFCE00  }
0x28: {  	v0 =	vld [tilespmem:s26+$0x6400]  }
0x29: {  	v1 =	vld [tilespmem:s26+$0x6410]  }
0x2a: {  	v2 =	vld [tilespmem:s26+$0x6420]  }
0x2b: {  	v3 =	vld [tilespmem:s26+$0x6430]  }
0x2c: {  	v4 =	vld [tilespmem:s26+$0x6440]  }
0x2d: {  	v5 =	vld [tilespmem:s26+$0x6450];
	v0 =	vmul.f32 $8.000000000e+00, v0  }
0x2e: {  	v6 =	vld [tilespmem:s26+$0x6460];
	v1 =	vmul.f32 $8.000000000e+00, v1  }
0x2f: {  	v7 =	vld [tilespmem:s26+$0x6470];
	[tilespmem:s26+$0x6400] =	vst v0;
	v0 =	vmul.f32 $8.000000000e+00, v2  }
0x30: {  	v8 =	vld [tilespmem:s26+$0x6480];
	[tilespmem:s26+$0x6410] =	vst v1;
	v1 =	vmul.f32 $8.000000000e+00, v3  }
0x31: {  	v9 =	vld [tilespmem:s26+$0x6490];
	[tilespmem:s26+$0x6420] =	vst v0;
	v0 =	vmul.f32 $8.000000000e+00, v4  }
0x32: {  	v2 =	vmul.f32 $8.000000000e+00, v5;
	[tilespmem:s26+$0x6430] =	vst v1;
	v1 =	vld [tilespmem:s26+$0x64A0]  }
0x33: {  	v3 =	vmul.f32 $8.000000000e+00, v6;
	[tilespmem:s26+$0x6440] =	vst v0;
	v0 =	vld [tilespmem:s26+$0x64B0]  }
0x34: {  	[tilespmem:s26+$0x6450] =	vst v2;
	v2 =	vld [tilespmem:s26+$0x64C0];
	v4 =	vmul.f32 $8.000000000e+00, v7  }
0x35: {  	v6 =	vmul.f32 $8.000000000e+00, v8;
	[tilespmem:s26+$0x6460] =	vst v3;
	v3 =	vld [tilespmem:s26+$0x64D0]  }
0x36: {  	s28 =	simm.s32 $0x400;
	v5 =	vmul.f32 $8.000000000e+00, v9;
	[tilespmem:s26+$0x6470] =	vst v4;
	v4 =	vld [tilespmem:s26+$0x64E0]  }
.LBB2_3:
0x37: {  	s29 =	sshra.s32 s28, $0x2;
	p0 =	sne.s32 s28, $0xC400;
	[tilespmem:s26+$0x6480] =	vst v6;
	v1 =	vmul.f32 $8.000000000e+00, v1;
	v6 =	vld [tilespmem:s26+$0x64F0]  }
0x38: {  	v7 =	vld [tilespmem:s29+$0x6400];
	[tilespmem:s26+$0x6490] =	vst v5;
	v0 =	vmul.f32 $8.000000000e+00, v0  }
0x39: {  	v5 =	vld [tilespmem:s29+$0x6410];
	[tilespmem:s26+$0x64A0] =	vst v1;
	v1 =	vmul.f32 $8.000000000e+00, v2  }
0x3a: {  	v2 =	vld [tilespmem:s29+$0x6420];
	[tilespmem:s26+$0x64B0] =	vst v0;
	v0 =	vmul.f32 $8.000000000e+00, v3  }
0x3b: {  	v3 =	vld [tilespmem:s29+$0x6430];
	[tilespmem:s26+$0x64C0] =	vst v1;
	v1 =	vmul.f32 $8.000000000e+00, v4  }
0x3c: {  	v4 =	vld [tilespmem:s29+$0x6440];
	[tilespmem:s26+$0x64D0] =	vst v0;
	v0 =	vmul.f32 $8.000000000e+00, v6  }
0x3d: {  	v6 =	vmul.f32 $8.000000000e+00, v7;
	v7 =	vld [tilespmem:s29+$0x6450];
	[tilespmem:s26+$0x64E0] =	vst v1  }
0x3e: {  	v1 =	vmul.f32 $8.000000000e+00, v5;
	v5 =	vld [tilespmem:s29+$0x6460];
	[tilespmem:s26+$0x64F0] =	vst v0;
	s26 =	smov.u32 s29  }
0x3f: {  	[tilespmem:s26+$0x6400] =	vst v6;
	v0 =	vmul.f32 $8.000000000e+00, v2;
	v2 =	vld [tilespmem:s26+$0x6470]  }
0x40: {  	[tilespmem:s26+$0x6410] =	vst v1;
	v1 =	vmul.f32 $8.000000000e+00, v3;
	v3 =	vld [tilespmem:s26+$0x6480]  }
0x41: {  	[tilespmem:s26+$0x6420] =	vst v0;
	v0 =	vmul.f32 $8.000000000e+00, v4;
	v4 =	vld [tilespmem:s26+$0x6490]  }
.Ltmp2:
0x42: {  	[tilespmem:s26+$0x6430] =	vst v1;
	v6 =	vmul.f32 $8.000000000e+00, v7;
	v1 =	vld [tilespmem:s26+$0x64A0];
	(pc) =	sbr.rel @p0 .LBB2_3-.Ltmp2, $4  }
0x43: {  	[tilespmem:s26+$0x6440] =	vst v0;
	v5 =	vmul.f32 $8.000000000e+00, v5;
	v0 =	vld [tilespmem:s26+$0x64B0]  }
0x44: {  	[tilespmem:s26+$0x6450] =	vst v6;
	v7 =	vmul.f32 $8.000000000e+00, v2;
	v2 =	vld [tilespmem:s26+$0x64C0]  }
0x45: {  	[tilespmem:s26+$0x6460] =	vst v5;
	v6 =	vmul.f32 $8.000000000e+00, v3;
	v3 =	vld [tilespmem:s26+$0x64D0]  }
0x46: {  	s28 =	sadd.s32 $0x400, s28;
	[tilespmem:s26+$0x6470] =	vst v7;
	v5 =	vmul.f32 $8.000000000e+00, v4;
	v4 =	vld [tilespmem:s26+$0x64E0]  }
0x47: {  	[tilespmem:s26+$0x6480] =	vst v6;
	v1 =	vmul.f32 $8.000000000e+00, v1;
	v6 =	vld [tilespmem:s26+$0x64F0]  }
0x48: {  	[tilespmem:s26+$0x6490] =	vst v5;
	v0 =	vmul.f32 $8.000000000e+00, v0  }
0x49: {  	[tilespmem:s26+$0x64A0] =	vst v1;
	v1 =	vmul.f32 $8.000000000e+00, v2  }
0x4a: {  	s28 =	sshll.u32 s25, $0x2;
	[tilespmem:s26+$0x64B0] =	vst v0;
	v0 =	vmul.f32 $8.000000000e+00, v3  }
0x4b: {  	s29 =	sadd.s32 s3, s28;
	[tilespmem:s26+$0x64C0] =	vst v1;
	v1 =	vmul.f32 $8.000000000e+00, v4  }
0x4c: {  	s29 =	smul.u32 $0x640, s29;
	[tilespmem:s26+$0x64D0] =	vst v0;
	v0 =	vmul.f32 $8.000000000e+00, v6  }
0x4d: {  	p0 =	seq.s32 s25, $0x1F;
	[tilespmem:s26+$0x64E0] =	vst v1  }
0x4e: {  	s31 =	sadd.s32 s2, s29;
	[tilespmem:s26+$0x64F0] =	vst v0;
	s26 =	simm.s32 @!p0 $0x5  }
0x4f: {  	[hbm4b:s31+s4] =	stream.linear.scatter [tilespmem:s10], [sflag:$0x5], $0x3200, $0x38;
	[tilespmem:$0x12C00] =	vst v63  }
0x50: {  	s29 =	smul.u32 @!p0 $0xC80, s25;
	_ =	swait.ge @!p0 [sflag:s26], $0x3200  }
0x51: {  	[sflag:s26] =	ssyncset.done @!p0 $0x0  }
0x52: {  	[sflag:s26] =	ssyncadd.s32 @!p0 $0xFFFFCE00;
	s26 =	sshra.s32 @!p0 s29, $0x2  }
0x53: {  	s30 =	simm.s32 @!p0 $0xC8;
	s31 =	simm.s32 @!p0 $0x6400;
	s29 =	sadd.s32 @!p0 $0x320, s26  }
0x54: {  	[tilespmem:s31], [sflag:$0x1] =	stream.indirect.gather @!p0 [hbm4b:s5+s30], $0x40, s29, s30, $0xb8;
	[tilespmem:$0x12C00] =	vst v63  }
0x55: {  	_ =	swait.ge [sflag:s17], $0x3200  }
0x56: {  	[sflag:s17] =	ssyncset.done $0x0  }
0x57: {  	s29 =	simm.s32 $0x0;
	[sflag:s17] =	ssyncadd.s32 $0xFFFFCE00  }
0x58: {  	v0 =	vld [tilespmem:s29+$0x9600]  }
0x59: {  	v1 =	vld [tilespmem:s29+$0x9610]  }
0x5a: {  	v2 =	vld [tilespmem:s29+$0x9620]  }
0x5b: {  	v3 =	vld [tilespmem:s29+$0x9630]  }
0x5c: {  	v4 =	vld [tilespmem:s29+$0x9640]  }
0x5d: {  	v5 =	vld [tilespmem:s29+$0x9650];
	v0 =	vmul.f32 $8.000000000e+00, v0  }
0x5e: {  	v6 =	vld [tilespmem:s29+$0x9660];
	v1 =	vmul.f32 $8.000000000e+00, v1  }
0x5f: {  	v7 =	vld [tilespmem:s29+$0x9670];
	[tilespmem:s29+$0x9600] =	vst v0;
	v0 =	vmul.f32 $8.000000000e+00, v2  }
0x60: {  	v8 =	vld [tilespmem:s29+$0x9680];
	[tilespmem:s29+$0x9610] =	vst v1;
	v1 =	vmul.f32 $8.000000000e+00, v3  }
0x61: {  	v9 =	vld [tilespmem:s29+$0x9690];
	[tilespmem:s29+$0x9620] =	vst v0;
	v0 =	vmul.f32 $8.000000000e+00, v4  }
0x62: {  	v2 =	vmul.f32 $8.000000000e+00, v5;
	[tilespmem:s29+$0x9630] =	vst v1;
	v1 =	vld [tilespmem:s29+$0x96A0]  }
0x63: {  	v3 =	vmul.f32 $8.000000000e+00, v6;
	[tilespmem:s29+$0x9640] =	vst v0;
	v0 =	vld [tilespmem:s29+$0x96B0]  }
0x64: {  	[tilespmem:s29+$0x9650] =	vst v2;
	v2 =	vld [tilespmem:s29+$0x96C0];
	v4 =	vmul.f32 $8.000000000e+00, v7  }
0x65: {  	v6 =	vmul.f32 $8.000000000e+00, v8;
	[tilespmem:s29+$0x9660] =	vst v3;
	v3 =	vld [tilespmem:s29+$0x96D0]  }
0x66: {  	s30 =	simm.s32 $0x400;
	v5 =	vmul.f32 $8.000000000e+00, v9;
	[tilespmem:s29+$0x9670] =	vst v4;
	v4 =	vld [tilespmem:s29+$0x96E0]  }
.LBB2_5:
0x67: {  	s31 =	sshra.s32 s30, $0x2;
	p1 =	sne.s32 s30, $0xC400;
	[tilespmem:s29+$0x9680] =	vst v6;
	v1 =	vmul.f32 $8.000000000e+00, v1;
	v6 =	vld [tilespmem:s29+$0x96F0]  }
0x68: {  	v7 =	vld [tilespmem:s31+$0x9600];
	[tilespmem:s29+$0x9690] =	vst v5;
	v0 =	vmul.f32 $8.000000000e+00, v0  }
0x69: {  	v5 =	vld [tilespmem:s31+$0x9610];
	[tilespmem:s29+$0x96A0] =	vst v1;
	v1 =	vmul.f32 $8.000000000e+00, v2  }
0x6a: {  	v2 =	vld [tilespmem:s31+$0x9620];
	[tilespmem:s29+$0x96B0] =	vst v0;
	v0 =	vmul.f32 $8.000000000e+00, v3  }
0x6b: {  	v3 =	vld [tilespmem:s31+$0x9630];
	[tilespmem:s29+$0x96C0] =	vst v1;
	v1 =	vmul.f32 $8.000000000e+00, v4  }
0x6c: {  	v4 =	vld [tilespmem:s31+$0x9640];
	[tilespmem:s29+$0x96D0] =	vst v0;
	v0 =	vmul.f32 $8.000000000e+00, v6  }
0x6d: {  	v6 =	vmul.f32 $8.000000000e+00, v7;
	v7 =	vld [tilespmem:s31+$0x9650];
	[tilespmem:s29+$0x96E0] =	vst v1  }
0x6e: {  	v1 =	vmul.f32 $8.000000000e+00, v5;
	v5 =	vld [tilespmem:s31+$0x9660];
	[tilespmem:s29+$0x96F0] =	vst v0;
	s29 =	smov.u32 s31  }
0x6f: {  	[tilespmem:s29+$0x9600] =	vst v6;
	v0 =	vmul.f32 $8.000000000e+00, v2;
	v2 =	vld [tilespmem:s29+$0x9670]  }
0x70: {  	[tilespmem:s29+$0x9610] =	vst v1;
	v1 =	vmul.f32 $8.000000000e+00, v3;
	v3 =	vld [tilespmem:s29+$0x9680]  }
0x71: {  	[tilespmem:s29+$0x9620] =	vst v0;
	v0 =	vmul.f32 $8.000000000e+00, v4;
	v4 =	vld [tilespmem:s29+$0x9690]  }
.Ltmp3:
0x72: {  	[tilespmem:s29+$0x9630] =	vst v1;
	v6 =	vmul.f32 $8.000000000e+00, v7;
	v1 =	vld [tilespmem:s29+$0x96A0];
	(pc) =	sbr.rel @p1 .LBB2_5-.Ltmp3, $4  }
0x73: {  	[tilespmem:s29+$0x9640] =	vst v0;
	v5 =	vmul.f32 $8.000000000e+00, v5;
	v0 =	vld [tilespmem:s29+$0x96B0]  }
0x74: {  	[tilespmem:s29+$0x9650] =	vst v6;
	v7 =	vmul.f32 $8.000000000e+00, v2;
	v2 =	vld [tilespmem:s29+$0x96C0]  }
0x75: {  	[tilespmem:s29+$0x9660] =	vst v5;
	v6 =	vmul.f32 $8.000000000e+00, v3;
	v3 =	vld [tilespmem:s29+$0x96D0]  }
0x76: {  	s30 =	sadd.s32 $0x400, s30;
	[tilespmem:s29+$0x9670] =	vst v7;
	v5 =	vmul.f32 $8.000000000e+00, v4;
	v4 =	vld [tilespmem:s29+$0x96E0]  }
0x77: {  	[tilespmem:s29+$0x9680] =	vst v6;
	v1 =	vmul.f32 $8.000000000e+00, v1;
	v6 =	vld [tilespmem:s29+$0x96F0]  }
0x78: {  	[tilespmem:s29+$0x9690] =	vst v5;
	v0 =	vmul.f32 $8.000000000e+00, v0  }
0x79: {  	[tilespmem:s29+$0x96A0] =	vst v1;
	v1 =	vmul.f32 $8.000000000e+00, v2  }
0x7a: {  	s28 =	sadd.s32 s28, s3;
	[tilespmem:s29+$0x96B0] =	vst v0;
	v0 =	vmul.f32 $8.000000000e+00, v3  }
0x7b: {  	s28 =	smul.u32 $0x640, s28;
	[tilespmem:s29+$0x96C0] =	vst v1;
	v1 =	vmul.f32 $8.000000000e+00, v4  }
0x7c: {  	[tilespmem:s29+$0x96D0] =	vst v0;
	v0 =	vmul.f32 $8.000000000e+00, v6  }
0x7d: {  	s28 =	sadd.s32 s2, s28;
	[tilespmem:s29+$0x96E0] =	vst v1  }
0x7e: {  	[tilespmem:s29+$0x96F0] =	vst v0;
	s29 =	sadd.s32 $0x640, s28  }
0x7f: {  	[hbm4b:s29+s4] =	stream.linear.scatter [tilespmem:s11], [sflag:$0x6], $0x3200, $0x38;
	[tilespmem:$0x12C00] =	vst v63  }
0x80: {  	s29 =	simm.s32 @!p0 $0x6  }
0x81: {  	_ =	swait.ge @!p0 [sflag:s29], $0x3200  }
0x82: {  	s30 =	simm.s32 @!p0 $0xC8;
	[sflag:s29] =	ssyncset.done @!p0 $0x0  }
0x83: {  	s31 =	simm.s32 @!p0 $0x9600;
	[sflag:s29] =	ssyncadd.s32 @!p0 $0xFFFFCE00;
	s29 =	sadd.s32 @!p0 $0x3E8, s26  }
0x84: {  	[tilespmem:s31], [sflag:$0x2] =	stream.indirect.gather @!p0 [hbm4b:s5+s30], $0x40, s29, s30, $0xb8;
	[tilespmem:$0x12C00] =	vst v63  }
0x85: {  	_ =	swait.ge [sflag:s18], $0x3200  }
0x86: {  	[sflag:s18] =	ssyncset.done $0x0  }
0x87: {  	s29 =	simm.s32 $0x0;
	[sflag:s18] =	ssyncadd.s32 $0xFFFFCE00  }
0x88: {  	v0 =	vld [tilespmem:s29+$0xC800]  }
0x89: {  	v1 =	vld [tilespmem:s29+$0xC810]  }
0x8a: {  	v2 =	vld [tilespmem:s29+$0xC820]  }
0x8b: {  	v3 =	vld [tilespmem:s29+$0xC830]  }
0x8c: {  	v4 =	vld [tilespmem:s29+$0xC840]  }
0x8d: {  	v5 =	vld [tilespmem:s29+$0xC850];
	v0 =	vmul.f32 $8.000000000e+00, v0  }
0x8e: {  	v6 =	vld [tilespmem:s29+$0xC860];
	v1 =	vmul.f32 $8.000000000e+00, v1  }
0x8f: {  	v7 =	vld [tilespmem:s29+$0xC870];
	[tilespmem:s29+$0xC800] =	vst v0;
	v0 =	vmul.f32 $8.000000000e+00, v2  }
0x90: {  	v8 =	vld [tilespmem:s29+$0xC880];
	[tilespmem:s29+$0xC810] =	vst v1;
	v1 =	vmul.f32 $8.000000000e+00, v3  }
0x91: {  	v9 =	vld [tilespmem:s29+$0xC890];
	[tilespmem:s29+$0xC820] =	vst v0;
	v0 =	vmul.f32 $8.000000000e+00, v4  }
0x92: {  	v2 =	vmul.f32 $8.000000000e+00, v5;
	[tilespmem:s29+$0xC830] =	vst v1;
	v1 =	vld [tilespmem:s29+$0xC8A0]  }
0x93: {  	v3 =	vmul.f32 $8.000000000e+00, v6;
	[tilespmem:s29+$0xC840] =	vst v0;
	v0 =	vld [tilespmem:s29+$0xC8B0]  }
0x94: {  	[tilespmem:s29+$0xC850] =	vst v2;
	v2 =	vld [tilespmem:s29+$0xC8C0];
	v4 =	vmul.f32 $8.000000000e+00, v7  }
0x95: {  	v6 =	vmul.f32 $8.000000000e+00, v8;
	[tilespmem:s29+$0xC860] =	vst v3;
	v3 =	vld [tilespmem:s29+$0xC8D0]  }
0x96: {  	s30 =	simm.s32 $0x400;
	v5 =	vmul.f32 $8.000000000e+00, v9;
	[tilespmem:s29+$0xC870] =	vst v4;
	v4 =	vld [tilespmem:s29+$0xC8E0]  }
.LBB2_7:
0x97: {  	s31 =	sshra.s32 s30, $0x2;
	p1 =	sne.s32 s30, $0xC400;
	[tilespmem:s29+$0xC880] =	vst v6;
	v1 =	vmul.f32 $8.000000000e+00, v1;
	v6 =	vld [tilespmem:s29+$0xC8F0]  }
0x98: {  	v7 =	vld [tilespmem:s31+$0xC800];
	[tilespmem:s29+$0xC890] =	vst v5;
	v0 =	vmul.f32 $8.000000000e+00, v0  }
0x99: {  	v5 =	vld [tilespmem:s31+$0xC810];
	[tilespmem:s29+$0xC8A0] =	vst v1;
	v1 =	vmul.f32 $8.000000000e+00, v2  }
0x9a: {  	v2 =	vld [tilespmem:s31+$0xC820];
	[tilespmem:s29+$0xC8B0] =	vst v0;
	v0 =	vmul.f32 $8.000000000e+00, v3  }
0x9b: {  	v3 =	vld [tilespmem:s31+$0xC830];
	[tilespmem:s29+$0xC8C0] =	vst v1;
	v1 =	vmul.f32 $8.000000000e+00, v4  }
0x9c: {  	v4 =	vld [tilespmem:s31+$0xC840];
	[tilespmem:s29+$0xC8D0] =	vst v0;
	v0 =	vmul.f32 $8.000000000e+00, v6  }
0x9d: {  	v6 =	vmul.f32 $8.000000000e+00, v7;
	v7 =	vld [tilespmem:s31+$0xC850];
	[tilespmem:s29+$0xC8E0] =	vst v1  }
0x9e: {  	v1 =	vmul.f32 $8.000000000e+00, v5;
	v5 =	vld [tilespmem:s31+$0xC860];
	[tilespmem:s29+$0xC8F0] =	vst v0;
	s29 =	smov.u32 s31  }
0x9f: {  	[tilespmem:s29+$0xC800] =	vst v6;
	v0 =	vmul.f32 $8.000000000e+00, v2;
	v2 =	vld [tilespmem:s29+$0xC870]  }
0xa0: {  	[tilespmem:s29+$0xC810] =	vst v1;
	v1 =	vmul.f32 $8.000000000e+00, v3;
	v3 =	vld [tilespmem:s29+$0xC880]  }
0xa1: {  	[tilespmem:s29+$0xC820] =	vst v0;
	v0 =	vmul.f32 $8.000000000e+00, v4;
	v4 =	vld [tilespmem:s29+$0xC890]  }
.Ltmp4:
0xa2: {  	[tilespmem:s29+$0xC830] =	vst v1;
	v6 =	vmul.f32 $8.000000000e+00, v7;
	v1 =	vld [tilespmem:s29+$0xC8A0];
	(pc) =	sbr.rel @p1 .LBB2_7-.Ltmp4, $4  }
0xa3: {  	[tilespmem:s29+$0xC840] =	vst v0;
	v5 =	vmul.f32 $8.000000000e+00, v5;
	v0 =	vld [tilespmem:s29+$0xC8B0]  }
0xa4: {  	[tilespmem:s29+$0xC850] =	vst v6;
	v7 =	vmul.f32 $8.000000000e+00, v2;
	v2 =	vld [tilespmem:s29+$0xC8C0]  }
0xa5: {  	[tilespmem:s29+$0xC860] =	vst v5;
	v6 =	vmul.f32 $8.000000000e+00, v3;
	v3 =	vld [tilespmem:s29+$0xC8D0]  }
0xa6: {  	s30 =	sadd.s32 $0x400, s30;
	[tilespmem:s29+$0xC870] =	vst v7;
	v5 =	vmul.f32 $8.000000000e+00, v4;
	v4 =	vld [tilespmem:s29+$0xC8E0]  }
0xa7: {  	[tilespmem:s29+$0xC880] =	vst v6;
	v1 =	vmul.f32 $8.000000000e+00, v1;
	v6 =	vld [tilespmem:s29+$0xC8F0]  }
0xa8: {  	[tilespmem:s29+$0xC890] =	vst v5;
	v0 =	vmul.f32 $8.000000000e+00, v0  }
0xa9: {  	[tilespmem:s29+$0xC8A0] =	vst v1;
	v1 =	vmul.f32 $8.000000000e+00, v2  }
0xaa: {  	[tilespmem:s29+$0xC8B0] =	vst v0;
	v0 =	vmul.f32 $8.000000000e+00, v3  }
0xab: {  	[tilespmem:s29+$0xC8C0] =	vst v1;
	v1 =	vmul.f32 $8.000000000e+00, v4  }
0xac: {  	[tilespmem:s29+$0xC8D0] =	vst v0;
	v0 =	vmul.f32 $8.000000000e+00, v6  }
0xad: {  	[tilespmem:s29+$0xC8E0] =	vst v1  }
0xae: {  	[tilespmem:s29+$0xC8F0] =	vst v0;
	s29 =	sadd.s32 $0xC80, s28  }
0xaf: {  	[hbm4b:s29+s4] =	stream.linear.scatter [tilespmem:s13], [sflag:$0x7], $0x3200, $0x38;
	[tilespmem:$0x12C00] =	vst v63  }
0xb0: {  	s29 =	simm.s32 @!p0 $0x7  }
0xb1: {  	_ =	swait.ge @!p0 [sflag:s29], $0x3200  }
0xb2: {  	s26 =	sadd.s32 @!p0 $0x4B0, s26;
	[sflag:s29] =	ssyncset.done @!p0 $0x0  }
0xb3: {  	s30 =	simm.s32 @!p0 $0xC800;
	[sflag:s29] =	ssyncadd.s32 @!p0 $0xFFFFCE00;
	s29 =	simm.s32 @!p0 $0xC8  }
0xb4: {  	[tilespmem:s30], [sflag:$0x3] =	stream.indirect.gather @!p0 [hbm4b:s5+s29], $0x40, s26, s29, $0xb8;
	[tilespmem:$0x12C00] =	vst v63  }
0xb5: {  	_ =	swait.ge [sflag:s19], $0x3200  }
0xb6: {  	[sflag:s19] =	ssyncset.done $0x0  }
0xb7: {  	s26 =	simm.s32 $0x0;
	[sflag:s19] =	ssyncadd.s32 $0xFFFFCE00  }
0xb8: {  	v0 =	vld [tilespmem:s26+$0xFA00]  }
0xb9: {  	v1 =	vld [tilespmem:s26+$0xFA10]  }
0xba: {  	v2 =	vld [tilespmem:s26+$0xFA20]  }
0xbb: {  	v3 =	vld [tilespmem:s26+$0xFA30]  }
0xbc: {  	v4 =	vld [tilespmem:s26+$0xFA40]  }
0xbd: {  	v5 =	vld [tilespmem:s26+$0xFA50];
	v0 =	vmul.f32 $8.000000000e+00, v0  }
0xbe: {  	v6 =	vld [tilespmem:s26+$0xFA60];
	v1 =	vmul.f32 $8.000000000e+00, v1  }
0xbf: {  	v7 =	vld [tilespmem:s26+$0xFA70];
	[tilespmem:s26+$0xFA00] =	vst v0;
	v0 =	vmul.f32 $8.000000000e+00, v2  }
0xc0: {  	v8 =	vld [tilespmem:s26+$0xFA80];
	[tilespmem:s26+$0xFA10] =	vst v1;
	v1 =	vmul.f32 $8.000000000e+00, v3  }
0xc1: {  	v9 =	vld [tilespmem:s26+$0xFA90];
	[tilespmem:s26+$0xFA20] =	vst v0;
	v0 =	vmul.f32 $8.000000000e+00, v4  }
0xc2: {  	v2 =	vmul.f32 $8.000000000e+00, v5;
	[tilespmem:s26+$0xFA30] =	vst v1;
	v1 =	vld [tilespmem:s26+$0xFAA0]  }
0xc3: {  	v3 =	vmul.f32 $8.000000000e+00, v6;
	[tilespmem:s26+$0xFA40] =	vst v0;
	v0 =	vld [tilespmem:s26+$0xFAB0]  }
0xc4: {  	[tilespmem:s26+$0xFA50] =	vst v2;
	v2 =	vld [tilespmem:s26+$0xFAC0];
	v4 =	vmul.f32 $8.000000000e+00, v7  }
0xc5: {  	v6 =	vmul.f32 $8.000000000e+00, v8;
	[tilespmem:s26+$0xFA60] =	vst v3;
	v3 =	vld [tilespmem:s26+$0xFAD0]  }
0xc6: {  	s29 =	simm.s32 $0x400;
	v5 =	vmul.f32 $8.000000000e+00, v9;
	[tilespmem:s26+$0xFA70] =	vst v4;
	v4 =	vld [tilespmem:s26+$0xFAE0]  }
.LBB2_9:
0xc7: {  	s30 =	sshra.s32 s29, $0x2;
	p1 =	sne.s32 s29, $0xC400;
	[tilespmem:s26+$0xFA80] =	vst v6;
	v1 =	vmul.f32 $8.000000000e+00, v1;
	v6 =	vld [tilespmem:s26+$0xFAF0]  }
0xc8: {  	v7 =	vld [tilespmem:s30+$0xFA00];
	[tilespmem:s26+$0xFA90] =	vst v5;
	v0 =	vmul.f32 $8.000000000e+00, v0  }
0xc9: {  	v5 =	vld [tilespmem:s30+$0xFA10];
	[tilespmem:s26+$0xFAA0] =	vst v1;
	v1 =	vmul.f32 $8.000000000e+00, v2  }
0xca: {  	v2 =	vld [tilespmem:s30+$0xFA20];
	[tilespmem:s26+$0xFAB0] =	vst v0;
	v0 =	vmul.f32 $8.000000000e+00, v3  }
0xcb: {  	v3 =	vld [tilespmem:s30+$0xFA30];
	[tilespmem:s26+$0xFAC0] =	vst v1;
	v1 =	vmul.f32 $8.000000000e+00, v4  }
0xcc: {  	v4 =	vld [tilespmem:s30+$0xFA40];
	[tilespmem:s26+$0xFAD0] =	vst v0;
	v0 =	vmul.f32 $8.000000000e+00, v6  }
0xcd: {  	v6 =	vmul.f32 $8.000000000e+00, v7;
	v7 =	vld [tilespmem:s30+$0xFA50];
	[tilespmem:s26+$0xFAE0] =	vst v1  }
0xce: {  	v1 =	vmul.f32 $8.000000000e+00, v5;
	v5 =	vld [tilespmem:s30+$0xFA60];
	[tilespmem:s26+$0xFAF0] =	vst v0;
	s26 =	smov.u32 s30  }
0xcf: {  	[tilespmem:s26+$0xFA00] =	vst v6;
	v0 =	vmul.f32 $8.000000000e+00, v2;
	v2 =	vld [tilespmem:s26+$0xFA70]  }
0xd0: {  	[tilespmem:s26+$0xFA10] =	vst v1;
	v1 =	vmul.f32 $8.000000000e+00, v3;
	v3 =	vld [tilespmem:s26+$0xFA80]  }
0xd1: {  	[tilespmem:s26+$0xFA20] =	vst v0;
	v0 =	vmul.f32 $8.000000000e+00, v4;
	v4 =	vld [tilespmem:s26+$0xFA90]  }
.Ltmp5:
0xd2: {  	[tilespmem:s26+$0xFA30] =	vst v1;
	v6 =	vmul.f32 $8.000000000e+00, v7;
	v1 =	vld [tilespmem:s26+$0xFAA0];
	(pc) =	sbr.rel @p1 .LBB2_9-.Ltmp5, $4  }
0xd3: {  	[tilespmem:s26+$0xFA40] =	vst v0;
	v5 =	vmul.f32 $8.000000000e+00, v5;
	v0 =	vld [tilespmem:s26+$0xFAB0]  }
0xd4: {  	[tilespmem:s26+$0xFA50] =	vst v6;
	v7 =	vmul.f32 $8.000000000e+00, v2;
	v2 =	vld [tilespmem:s26+$0xFAC0]  }
0xd5: {  	[tilespmem:s26+$0xFA60] =	vst v5;
	v6 =	vmul.f32 $8.000000000e+00, v3;
	v3 =	vld [tilespmem:s26+$0xFAD0]  }
0xd6: {  	s29 =	sadd.s32 $0x400, s29;
	[tilespmem:s26+$0xFA70] =	vst v7;
	v5 =	vmul.f32 $8.000000000e+00, v4;
	v4 =	vld [tilespmem:s26+$0xFAE0]  }
0xd7: {  	[tilespmem:s26+$0xFA80] =	vst v6;
	v1 =	vmul.f32 $8.000000000e+00, v1;
	v59 =	vld [tilespmem:s26+$0xFAF0]  }
0xd8: {  	[tilespmem:s26+$0xFA90] =	vst v5;
	v0 =	vmul.f32 $8.000000000e+00, v0  }
0xd9: {  	[tilespmem:s26+$0xFAA0] =	vst v1;
	v60 =	vmul.f32 $8.000000000e+00, v2  }
0xda: {  	[tilespmem:s26+$0xFAB0] =	vst v0;
	v61 =	vmul.f32 $8.000000000e+00, v3  }
.Ltmp6:
0xdb: {  	[tilespmem:s26+$0xFAC0] =	vst v60;
	v62 =	vmul.f32 $8.000000000e+00, v4;
	(pc) =	sbr.rel @p0 .LBB2_12-.Ltmp6, $4  }
0xdc: {  	[tilespmem:s26+$0xFAD0] =	vst v61;
	v63 =	vmul.f32 $8.000000000e+00, v59  }
0xdd: {  	[tilespmem:s26+$0xFAE0] =	vst v62  }
0xde: {  	s31 =	sadd.s32 $0x12C0, s28;
	[tilespmem:s26+$0xFAF0] =	vst v63  }
0xdf: {  	[hbm4b:s31+s4] =	stream.linear.scatter [tilespmem:s15], [sflag:$0x8], $0x3200, $0x38;
	[tilespmem:$0x12C00] =	vst v63  }
0xe0: {  	s26 =	smul.u32 $0xC80, s25  }
.Ltmp7:
0xe1: {  	_ = 	snop;
	(pc) =	sbr.rel .LBB2_2-.Ltmp7, $4  }
0xe2: {  	_ =	swait.ge [sflag:s23], $0x3200  }
0xe3: {  	[sflag:s23] =	ssyncset.done $0x0;
	s26 =	sshra.s32 s26, $0x2  }
0xe4: {  	s25 =	sadd.s32 $0x1, s25;
	[sflag:s23] =	ssyncadd.s32 $0xFFFFCE00;
	s26 =	sadd.s32 $0x578, s26  }
0xe5: {  	[tilespmem:s15], [sflag:$0x4] =	stream.indirect.gather [hbm4b:s5+s9], $0x40, s26, s9, $0xb8;
	[tilespmem:$0x12C00] =	vst v63  }
.LBB2_13:
0xe6: {  	_ =	sfence.sel $0x180000  }
0xe7: {  	[bflag:$0x0] =	sbarrier.arrive $0xFFFF  }
0xe8: {  	p0 =	sne.s32 s0, $0x0;
	_ =	strace $0x90000047  }
0xe9: {  	s0 =	sadd.s32 @!p0 $0x100000, s1;
	[bflag:$0x2] =	sbarrier.arrive $0xFFFF  }
0xea: {  	[sflag:s0] =	ssyncadd.tile.s32 @!p0 $0x1;
	_ =	shalt  }
.Lfunc_end2:
_tile_overlayer_lowered:
.L_overlay_start_2:
0xeb: {  	(tag) =	ssettag $0x2  }
0xec: {  	s0 =	rddreg [dreg:$0x0];
	s2 =	stileid.u32  }
0xed: {  	s1 =	rddreg [dreg:$0x1];
	p0 =	sne.s32 s2, $0x0  }
0xee: {  	s3 =	rddreg [dreg:$0x2];
	[bflag:$0x3] =	sbarrier.arrive $0xFFFF;
	s2 =	simm.s32 @!p0 $0x1C09  }
0xef: {  	[timem:s3], [sflag:s2] =	dma.local @!p0 [hbm:s0], s1  }
0xf0: {  	s0 =	simm.s32 @!p0 $0x9  }
0xf1: {  	_ =	swait.ge @!p0 [sflag:s0], s1  }
0xf2: {  	s1 =	ssub.s32 @!p0 $0x0, s1;
	[sflag:s0] =	ssyncset.done @!p0 $0x0  }
0xf3: {  	[sflag:s0] =	ssyncadd.s32 @!p0 s1  }
0xf4: {  	[bflag:$0x3] =	sbarrier.arrive $0xFFFF  }
0xf5: {  	_ =	shalt  }

// kernel: sparse-core-data-format-call.cloned.1.call-start
scs
called_computation_lowered:
.L_overlay_start_0:
0x0: {  	s2 =	sld [smem:$0x3FD9]  }
0x1: {  	s3 =	sld [smem:$0x3FFE];
	_ =	sdelay $0x1  }
0x2: {  	s1 =	srdreg.scid  }
0x3: {  	s0 =	sand.u32 $0x1, s1  }
0x4: {  	s18 =	sshll.u32 s0, $0xA;
	s2 =	sadd.s32 s3, s2  }
0x5: {  	s2 =	sadd.s32 s2, s18  }
0x6: {  	[smem:$0x3FC6] =	sst s2  }
0x7: {  	_ = 	snop  }
0x8: {  	s2 =	sld [smem:$0x3FD0];
	(tm) =	ssettm $0x1  }
0x9: {  	s19 =	sld [smem:$0x3FFB];
	_ =	sdelay $0x3  }
0xa: {  	_ =	strace s19  }
0xb: {  	s3 =	sld [smem:$0x3FFC];
	_ =	sdelay $0x3  }
0xc: {  	_ =	strace s3  }
0xd: {  	s3 =	sld [smem:$0x3FFD];
	_ =	sdelay $0x3  }
0xe: {  	_ =	strace s3  }
0xf: {  	_ =	strace $0x8FFFFFFF  }
0x10: {  	s20 =	sld [smem:$0x3FDB];
	_ =	sdelay $0x1  }
0x11: {  	s4 =	simm.s32 $_scs_section_size  }
0x12: {  	s5 =	simm.s32 $_size__tile_overlayer_lowered;
	s6 =	simm.s32 $_tile_overlayer_lowered  }
0x13: {  	s23 =	simm.s32 $0x1BFF;
	s22 =	sshll.u32 s6, $0x1;
	s3 =	sadd.s32 s4, s20  }
0x14: {  	s7 =	simm.s32 $0x0;
	s21 =	sshll.u32 s5, $0x1;
	s5 =	sadd.s32 s22, s3  }
0x15: {  	[timem:s7], [sflag:s23] =	dma.local [hbm:s5], s21  }
0x16: {  	_ =	swait.ge [sflag:s23], s21  }
0x17: {  	s4 =	ssub.s32 $0x0, s21;
	[sflag:s23] =	ssyncset.done $0x0  }
0x18: {  	[sflag:s23] =	ssyncadd.s32 s4;
	_ =	sdelay $0x1  }
0x19: {  	s24 =	simm.s32 $0x1B8B  }
0x1a: {  	_ =	swait.ge [sflag:s24], $0x1  }
0x1b: {  	[sflag:s24] =	ssyncset.done $0x0  }
0x1c: {  	s26 =	simm.s32 $0x1B8E;
	s25 =	sld [smem:$0x3FFE];
	[sflag:s24] =	ssyncadd.s32 $0xFFFFFFFF  }
0x1d: {  	s27 =	simm.s32 $execute0_lowered;
	[smem:$0x3FD2] =	sst s26  }
0x1e: {  	s5 =	sshll.u32 s27, $0x1;
	_ =	strace $0x80000049;
	[dreg:$0x1] =	wrdreg $0xFFFFFFFF  }
0x1f: {  	s28 =	simm.s32 $_size_execute0_lowered;
	s3 =	sadd.s32 s3, s5;
	[dreg:$0x0] =	wrdreg $0x0  }
0x20: {  	s5 =	sshll.u32 s28, $0x1;
	[dreg:$0x2] =	wrdreg s3  }
0x21: {  	[dreg:$0x3] =	wrdreg s5  }
0x22: {  	[dreg:$0x4] =	wrdreg $0xC0  }
0x23: {  	_ =	task [dreg:s7], $0x5FFFF  }
0x24: {  	[dreg:$0x1] =	wrdreg $0xFFFFFFFF  }
0x25: {  	[dreg:$0x0] =	wrdreg $0x60  }
0x26: {  	[dreg:$0x2] =	wrdreg s25  }
0x27: {  	[dreg:$0x3] =	wrdreg s2  }
0x28: {  	[dreg:$0x4] =	wrdreg $0x9  }
0x29: {  	_ =	task.clear_ibuf [dreg:s7], $0x5FFFF;
	_ =	strace $0x90000049  }
0x2a: {  	s29 =	simm.s32 $0x9;
	_ =	strace $0x8000004B  }
0x2b: {  	_ =	swait.ge [sflag:s29], $0x1  }
0x2c: {  	[sflag:s29] =	ssyncadd.s32 $0xFFFFFFFF  }
0x2d: {  	_ =	strace $0x9000004B  }
0x2e: {  	_ =	sfence  }
0x2f: {  	s30 =	sld [smem:$0x0];
	_ =	sdelay $0x2  }
0x30: {  	s31 =	sshll.u32 s1, $0xD;
	s1 =	sshrl.u32 s1, $0x2  }
0x31: {  	s3 =	sand.u32 $0x4000, s31;
	s1 =	sadd.s32 s1, s30  }
0x32: {  	s0 =	sor.u32 s3, s0;
	s1 =	sshll.u32 s1, $0x11  }
0x33: {  	s0 =	sor.u32 s1, s0  }
0x34: {  	s0 =	sadd.s32 $0x8F2B, s0  }
0x35: {  	[sflag:s0] =	ssyncadd.remote.s32 $0x1  }
0x36: {  	_ =	sfence.sel $0xFFFF  }
0x37: {  	[dreg:$0x0] =	wrdreg $0xFFFFFFFF;
	(pc) =	sbr.abs _section_cstart, $3  }
0x38: {  	[dreg:$0x1] =	wrdreg $0xFFFFFFFF  }
0x39: {  	_ =	task.clear_ibuf [dreg:s7], $0x2FFFF;
	_ =	strace $0x9FFFFFFF  }
0x3a: {  	(tm) =	ssettm $0x7FFFFFFF  }
0x3b: {  	_ =	shalt  }
tec
execute0_lowered:
.L_overlay_start_1:
0x0: {  	(tag) =	ssettag $0x1  }
0x1: {  	s0 =	srdreg.scid  }
0x2: {  	s1 =	sshll.u32 s0, $0x4  }
0x3: {  	s0 =	stileid.u32;
	s1 =	sand.u32 $0x10, s1  }
0x4: {  	s1 =	sor.u32 s0, s1  }
0x5: {  	s6 =	rddreg [dreg:$0x0];
	s4 =	simm.s32 $0x1;
	s2 =	sshll.u32 s1, $0x7  }
0x6: {  	s7 =	simm.s32 $0x2;
	s12 =	simm.s32 $0x0;
	s1 =	ssub.s32 $0x1000, s2  }
0x7: {  	s8 =	simm.s32 $0x8000;
	s13 =	simm.s32 $0x0;
	s3 =	sand.u32 $0xF80, s1  }
0x8: {  	s9 =	simm.s32 $0x0;
	s5 =	sshrl.u32 s1, $0xC;
	p0 =	sne.s32 s3, $0x0  }
.Ltmp0:
0x9: {  	s1 =	rddreg [dreg:$0x2];
	s4 =	simm.s32 @!p0 $0x0;
	(pc) =	sbr.rel .LBB1_1-.Ltmp0, $4  }
0xa: {  	s11 =	simm.s32 $0x0;
	s3 =	rddreg [dreg:$0x1];
	s5 =	sadd.s32 s4, s5  }
0xb: {  	_ =	strace $0x8000004A;
	s4 =	simm.s32 $0x1;
	s5 =	smul.u32 $0xC8, s5  }
0xc: {  	s6 =	sadd.s32 $0xA00, s6;
	s10 =	smov.u32 s2;
	[sflag:s4] =	ssyncpa.u1 $0x0  }
0xd: {  	p0 =	por $0x0, $0x0;
	[sflag:s7] =	ssyncpa.u1 $0x0;
	s7 =	sor.u32 $0x1, s5  }
.LBB1_4:
0xe: {  	s16 =	sshll.u32 s13, $0x3;
	s17 =	sand.u32 $0x78, s13  }
0xf: {  	s30 =	sand.u32 $0x7E00, s13;
	s12 =	sshll.u32 s12, $0xF;
	s16 =	sand.u32 $0xC00, s16  }
0x10: {  	[tilespmem:s15+$0x810 ss:$0x81] =	vst.msk $0xffff, v2;
	s31 =	sand.u32 $0x7, s13;
	s16 =	sor.u32 s17, s16;
	s17 =	sadd.s32 s3, s30  }
0x11: {  	[tilespmem:s15+$0x1020 ss:$0x81] =	vst.msk $0xffff, v0;
	s13 =	sshll.u32 s31, $0x12;
	s12 =	sadd.s32 s12, s17;
	s16 =	sshrl.u32 s16, $0x3  }
0x12: {  	[tilespmem:s15+$0x0 ss:$0x81] =	vst.msk $0xffff, v1;
	s13 =	sor.u32 $0x400, s13;
	s12 =	sadd.s32 s16, s12  }
0x13: {  	[hbm4b:s12+s13] =	stream.strided.scatter [tilespmem:s14], [sflag:$0x2], $0x2000, s8, s13, $0x20;
	[tilespmem:$0x8080] =	vst v63  }
.LBB1_5:
0x14: {  	s14 =	sadd.s32 $0x1, s9  }
0x15: {  	s12 =	sadd.s32 $0x1000, s10;
	s16 =	smov.u32 s10;
	p2 =	sgt.s32 s14, $0xC7  }
0x16: {  	s16 =	smov.u32 @p2 s12  }
0x17: {  	s14 =	simm.s32 @p2 $0x0;
	p2 =	sgt.s32 s16, $0xFFF  }
0x18: {  	s16 =	smov.u32 @p2 s2;
	p2 =	sne.s32 s11, s7  }
.Ltmp1:
0x19: {  	p1 =	slt.u32 s11, $0x2;
	(pc) =	sbr.rel @!p2 .LBB1_6-.Ltmp1, $4  }
0x1a: {  	s15 =	simm.s32 @!p1 $0x2  }
0x1b: {  	s13 =	smov.u32 s10;
	p0 =	por !p0, !p0;
	_ =	swait.ge @!p1 [sflag:s15], $0x2000  }
0x1c: {  	s12 =	smov.u32 s9;
	[sflag:s15] =	ssyncset.done @!p1 $0x0;
	s9 =	smov.u32 s14  }
0x1d: {  	s11 =	sadd.s32 $0x1, s11;
	[sflag:s15] =	ssyncadd.s32 @!p1 $0xFFFFE000;
	s10 =	smov.u32 s16  }
.LBB1_1:
0x1e: {  	p1 =	sge.u32 s11, s5  }
0x1f: {  	s14 =	sand.u32 @!p1 $0x1FFFFFF, s9  }
0x20: {  	s15 =	smulhi.u32 @!p1 $0x147AE15, s14;
	_ =	sdelay $0x1  }
0x21: {  	s15 =	smul.u32 @!p1 $0xC8, s15  }
0x22: {  	s16 =	sxor.u32 @!p1 $0xFFFFFFFF, s11;
	s17 =	smul.u32 @!p1 $0xC80, s10  }
0x23: {  	s31 =	sadd.s32 $0xFFFFFFFF, s11;
	s16 =	sshll.u32 @!p1 s16, $0xD;
	s14 =	ssub.s32 @!p1 s14, s15  }
0x24: {  	s15 =	sand.u32 @!p1 $0x2000, s16;
	s16 =	sadd.s32 @!p1 s6, s17;
	s14 =	sshll.u32 @!p1 s14, $0x4  }
0x25: {  	s17 =	simm.s32 @!p1 $0x6400;
	s14 =	sadd.s32 @!p1 s14, s16;
	s16 =	simm.s32 @!p1 $0x40  }
0x26: {  	[tilespmem:s15], [sflag:$0x1] =	stream.strided.gather @!p1 [hbm4b:s14+s16], $0x2000, s17, s16, $0x38;
	[tilespmem:$0x8080] =	vst v63  }
0x27: {  	p1 =	sge.u32 s31, s5  }
.Ltmp2:
0x28: {  	_ = 	snop;
	(pc) =	sbr.rel @p1 .LBB1_5-.Ltmp2, $1  }
0x29: {  	_ =	sdelay $0x3  }
0x2a: {  	s14 =	simm.s32 $0x1  }
0x2b: {  	_ =	swait.ge [sflag:s4], $0x2000;
	s14 =	simm.s32 @!p0 $0x0  }
0x2c: {  	[sflag:s4] =	ssyncset.done $0x0;
	s15 =	sshll.u32 s14, $0xD  }
0x2d: {  	[sflag:s4] =	ssyncadd.s32 $0xFFFFE000;
	s18 =	sor.u32 $0x20, s15  }
0x2e: {  	s14 =	smul.u32 $0x8100, s14;
	v3 =	vld [tilespmem:s18+$0x10]  }
0x2f: {  	s30 =	sand.u32 $0x1, s11;
	v2 =	vld [tilespmem:s18+$0xFFFFFFF0]  }
0x30: {  	s15 =	smul.u32 $0x8100, s30;
	s14 =	sshrl.u32 s14, $0x2;
	v0 =	vld [tilespmem:s18+$0x0]  }
0x31: {  	v1 =	vld [tilespmem:s18+$0xFFFFFFE0];
	s16 =	sor.u32 $0x4000, s14  }
0x32: {  	s31 =	sshrl.u32 s15, $0x2;
	s15 =	sadd.s32 $0x0, s16  }
0x33: {  	s17 =	simm.s32 $0x4;
	s18 =	sadd.s32 $0x40, s18;
	s14 =	sor.u32 $0x4000, s31;
	[tilespmem:s15+$0x1830 ss:$0x81] =	vst.msk $0xffff, v3  }
.LBB1_3:
0x34: {  	v3 =	vld [tilespmem:s18+$0x10];
	p1 =	sne.s32 s17, $0x1FC;
	[tilespmem:s15+$0x810 ss:$0x81] =	vst.msk $0xffff, v2;
	s19 =	smov.u32 s17;
	s17 =	sadd.s32 $0x4, s17  }
.Ltmp3:
0x35: {  	v2 =	vld [tilespmem:s18+$0xFFFFFFF0];
	[tilespmem:s15+$0x1020 ss:$0x81] =	vst.msk $0xffff, v0;
	(pc) =	sbr.rel @p1 .LBB1_3-.Ltmp3, $4  }
0x36: {  	v0 =	vld [tilespmem:s18+$0x0];
	[tilespmem:s15+$0x0 ss:$0x81] =	vst.msk $0xffff, v1  }
0x37: {  	s15 =	sshra.s32 s19, $0x2;
	v1 =	vld [tilespmem:s18+$0xFFFFFFE0]  }
0x38: {  	s15 =	sadd.s32 s15, s16  }
0x39: {  	s18 =	sadd.s32 $0x40, s18;
	[tilespmem:s15+$0x1830 ss:$0x81] =	vst.msk $0xffff, v3  }
.Ltmp4:
0x3a: {  	_ = 	snop;
	(pc) =	sbr.rel .LBB1_4-.Ltmp4, $1  }
0x3b: {  	_ =	sdelay $0x3  }
.LBB1_6:
0x3c: {  	_ =	sfence.sel $0x180000  }
0x3d: {  	s2 =	simm.s32 $0x1;
	[bflag:$0x0] =	sbarrier.arrive $0xFFFF  }
0x3e: {  	s31 =	simm.s32 $0x2;
	[sflag:s2] =	ssyncpa.u1 $0x1  }
0x3f: {  	[sflag:s31] =	ssyncpa.u1 $0x1  }
0x40: {  	p0 =	sne.s32 s0, $0x0;
	_ =	strace $0x9000004A  }
0x41: {  	s0 =	sadd.s32 @!p0 $0x100000, s1;
	[bflag:$0x2] =	sbarrier.arrive $0xFFFF  }
0x42: {  	[sflag:s0] =	ssyncadd.tile.s32 @!p0 $0x1;
	_ =	shalt  }
.Lfunc_end1:
_tile_overlayer_lowered:
.L_overlay_start_2:
0x43: {  	(tag) =	ssettag $0x2  }
0x44: {  	s0 =	rddreg [dreg:$0x0];
	s2 =	stileid.u32  }
0x45: {  	s1 =	rddreg [dreg:$0x1];
	p0 =	sne.s32 s2, $0x0  }
0x46: {  	s3 =	rddreg [dreg:$0x2];
	[bflag:$0x3] =	sbarrier.arrive $0xFFFF;
	s2 =	simm.s32 @!p0 $0x1C01  }
0x47: {  	[timem:s3], [sflag:s2] =	dma.local @!p0 [hbm:s0], s1  }
0x48: {  	s0 =	simm.s32 @!p0 $0x1  }
0x49: {  	_ =	swait.ge @!p0 [sflag:s0], s1  }
0x4a: {  	s1 =	ssub.s32 @!p0 $0x0, s1;
	[sflag:s0] =	ssyncset.done @!p0 $0x0  }
0x4b: {  	[sflag:s0] =	ssyncadd.s32 @!p0 s1  }
0x4c: {  	[bflag:$0x3] =	sbarrier.arrive $0xFFFF  }
0x4d: {  	_ =	shalt  }

</sc_bundles>
